<compile_context>
chip_gen: v7x
topology: tpu7x:2x2x1
jax: 0.10.2.dev20260603
libtpu: 0.0.44.dev20260713+nightly
codegen_flags: <defaults>
</compile_context>

<pallas_src>
import dataclasses

import jax
import jax.numpy as jnp
from jax import lax
from jax.experimental import pallas as pl
from jax.experimental.pallas import tpu as pltpu
from jax.experimental.pallas import tpu_sc as plsc

B, S, N = 64, 64, 60
C = 5
SS = S * S
PB = SS * C
NPAD = 64
GPAD = NPAD * 9
ROW640 = B * PB // 640
GRID = 8
ROWS = ROW640 // GRID
LAMBDA_COORD = 5.0


def _sc_gather_body(pred_hbm, tgt_hbm, out_hbm, pred_v, tgt_v, out_v):
    core = lax.axis_index("c")
    sub = lax.axis_index("s")
    wid = sub * 2 + core
    pltpu.sync_copy(tgt_hbm.at[pl.ds(wid * (2 * N * C), 2 * N * C)],
                    tgt_v.at[pl.ds(0, 2 * N * C)])
    for j in range(2):
        b = wid * 2 + j
        pltpu.sync_copy(pred_hbm.at[pl.ds(b * PB, PB)], pred_v)
        for kc in range(NPAD // 16):
            n16 = lax.iota(jnp.int32, 16) + (kc * 16)
            tbase = n16 * 5 + (j * N * C)
            tx = plsc.load_gather(tgt_v, [tbase + 1])
            ty = plsc.load_gather(tgt_v, [tbase + 2])
            tw = plsc.load_gather(tgt_v, [tbase + 3])
            th = plsc.load_gather(tgt_v, [tbase + 4])
            gx = jnp.clip((tx * 64.0).astype(jnp.int32), 0, S - 1)
            gy = jnp.clip((ty * 64.0).astype(jnp.int32), 0, S - 1)
            cell = (gy * S + gx) * C
            for comp in range(C):
                vals = plsc.load_gather(pred_v, [cell + comp])
                out_v[pl.ds(j * GPAD + comp * NPAD + kc * 16, 16)] = vals
            out_v[pl.ds(j * GPAD + 5 * NPAD + kc * 16, 16)] = tx
            out_v[pl.ds(j * GPAD + 6 * NPAD + kc * 16, 16)] = ty
            out_v[pl.ds(j * GPAD + 7 * NPAD + kc * 16, 16)] = tw
            out_v[pl.ds(j * GPAD + 8 * NPAD + kc * 16, 16)] = th
    pltpu.sync_copy(out_v, out_hbm.at[pl.ds(wid * 2 * GPAD, 2 * GPAD)])


def _sc_gather(pred_flat, tgt_flat):
    mesh = plsc.VectorSubcoreMesh(core_axis_name="c", subcore_axis_name="s")
    cp = pltpu.CompilerParams()
    if "needs_layout_passes" in pltpu.CompilerParams.__dataclass_fields__:
        cp = dataclasses.replace(cp, needs_layout_passes=False)
    kfn = pl.kernel(
        _sc_gather_body,
        out_type=jax.ShapeDtypeStruct((B * GPAD,), jnp.float32),
        mesh=mesh,
        compiler_params=cp,
        scratch_types=[
            pltpu.VMEM((PB,), jnp.float32),
            pltpu.VMEM((624,), jnp.float32),
            pltpu.VMEM((2 * GPAD,), jnp.float32),
        ],
    )
    return kfn(pred_flat, tgt_flat)


def _f0(x):
    return jnp.maximum(x, 0.0) + jnp.log1p(jnp.exp(-jnp.abs(x)))


def _smooth_l1(p, t):
    d = p - t
    ad = jnp.abs(d)
    return jnp.where(ad < 1.0, 0.5 * d * d, ad - 0.5)


def _tc_loss_body(pred_ref, g_ref, out_ref, acc_ref):
    i = pl.program_id(0)
    x = pred_ref[...]
    lane = lax.broadcasted_iota(jnp.int32, x.shape, 1)
    is_logit = lane % 5 == 4
    part = jnp.sum(jnp.where(is_logit, _f0(x), 0.0))

    @pl.when(i == 0)
    def _():
        acc_ref[0] = part

    @pl.when(i > 0)
    def _():
        acc_ref[0] += part

    @pl.when(i == GRID - 1)
    def _():
        g = g_ref[...]
        tx = g[:, 5 * NPAD:5 * NPAD + N]
        ty = g[:, 6 * NPAD:6 * NPAD + N]
        fx = tx * 64.0
        fy = ty * 64.0
        xi = fx.astype(jnp.int32)
        yi = fy.astype(jnp.int32)
        cell = jnp.clip(yi, 0, S - 1) * S + jnp.clip(xi, 0, S - 1)
        eq = cell[:, :, None] == cell[:, None, :]
        n1 = lax.broadcasted_iota(jnp.int32, (N, N), 0)
        n2 = lax.broadcasted_iota(jnp.int32, (N, N), 1)
        dup = jnp.any(eq & (n2 > n1)[None], axis=2)
        validf = jnp.where(dup, 0.0, 1.0)

        px = g[:, 0 * NPAD:0 * NPAD + N]
        py = g[:, 1 * NPAD:1 * NPAD + N]
        pw = g[:, 2 * NPAD:2 * NPAD + N]
        ph = g[:, 3 * NPAD:3 * NPAD + N]
        z = g[:, 4 * NPAD:4 * NPAD + N]
        tbx = fx - xi.astype(jnp.float32)
        tby = fy - yi.astype(jnp.float32)
        tw = g[:, 7 * NPAD:7 * NPAD + N]
        th = g[:, 8 * NPAD:8 * NPAD + N]
        box = (_smooth_l1(px, tbx) + _smooth_l1(py, tby)
               + _smooth_l1(pw, tw) + _smooth_l1(ph, th))
        corr = jnp.sum(validf * (0.5 * _f0(z) - z + LAMBDA_COORD * box))
        total = (0.5 * acc_ref[0] + corr) / float(B)
        out_ref[...] = jnp.reshape(total, (1, 1))


def _tc_loss(pred2d, g):
    return pl.pallas_call(
        _tc_loss_body,
        grid=(GRID,),
        in_specs=[
            pl.BlockSpec((ROWS, 640), lambda i: (i, 0)),
            pl.BlockSpec((B, GPAD), lambda i: (0, 0)),
        ],
        out_specs=pl.BlockSpec((1, 1), lambda i: (0, 0)),
        out_shape=jax.ShapeDtypeStruct((1, 1), jnp.float32),
        scratch_shapes=[pltpu.SMEM((1,), jnp.float32)],
    )(pred2d, g)


def kernel(predictions, targets):
    pred_flat = predictions.reshape(B * PB)
    g = _sc_gather(pred_flat, targets.reshape(B * N * C))
    out = _tc_loss(predictions.reshape(ROW640, 640), g.reshape(B, GPAD))
    return out[0, 0]

# --- scband reference (transcript-rebuilt; emitter-appended) ---
"""Pipeline reference for scband-detector-loss-82987358094008 (READ-ONLY COPY).

The authoritative reference and input builder live on the scoring server;
editing this copy changes nothing except your own understanding.
"""

import jax, jax.numpy as jnp
import numpy as np

B, S, N = 64, 64, 60
LAMBDA_COORD, LAMBDA_NOOBJ = 5.0, 0.5


def setup_inputs(seed: int = 0) -> dict:
    key = jax.random.key(seed)
    k1, k2 = jax.random.split(key)
    predictions = jax.random.normal(k1, (B, S, S, 5), dtype=jnp.float32)
    targets = jax.random.uniform(k2, (B, N, 5), dtype=jnp.float32)
    return {"predictions": predictions, "targets": targets}


def _bce_logits_sum(logits, t, mask):
    # BCEWithLogitsLoss(reduction='sum'): max(x,0) - x*t + log(1+exp(-|x|))
    per = jnp.maximum(logits, 0.0) - logits * t + jnp.log1p(jnp.exp(-jnp.abs(logits)))
    return jnp.sum(per * mask)


def _smooth_l1_sum(pred, tgt, mask):
    # SmoothL1Loss(reduction='sum'), beta=1.0
    d = pred - tgt
    ad = jnp.abs(d)
    per = jnp.where(ad < 1.0, 0.5 * d * d, ad - 0.5)
    return jnp.sum(per * mask[..., None])


def reference(predictions, targets):
    Bd = predictions.shape[0]
    Sd = predictions.shape[1]
    # build obj mask and target boxes (vectorized over the torch per-image loop)
    gti = (targets[:, :, 1:3] * Sd).astype(jnp.int32)  # trunc, same as .long() for positive vals
    gt_x = jnp.clip(gti[:, :, 0], 0, Sd - 1)
    gt_y = jnp.clip(gti[:, :, 1], 0, Sd - 1)
    b_idx = jnp.broadcast_to(jnp.arange(Bd)[:, None], gt_x.shape)
    obj_mask = jnp.zeros((Bd, Sd, Sd), dtype=bool).at[b_idx, gt_y, gt_x].set(True)
    tb = jnp.concatenate(
        [targets[:, :, 1:3] * Sd - gti.astype(jnp.float32), targets[:, :, 3:5]], axis=-1
    )
    t_box = jnp.zeros((Bd, Sd, Sd, 4), dtype=jnp.float32).at[b_idx, gt_y, gt_x].set(tb)

    objf = obj_mask.astype(jnp.float32)
    noobjf = 1.0 - objf
    logits = predictions[..., 4]
    loss_noobj = _bce_logits_sum(logits, 0.0, noobjf)
    loss_obj = _bce_logits_sum(logits, 1.0, objf)
    loss_box = _smooth_l1_sum(predictions[..., :4], t_box, objf)
    return (LAMBDA_COORD * loss_box + loss_obj + LAMBDA_NOOBJ * loss_noobj) / Bd

if __name__ == "__main__":
    import jax
    _d = setup_inputs()
    print(jax.jit(kernel)(*tuple(_d.values())))

</pallas_src>

<mosaic_0001>
#map = affine_map<(d0, d1) -> (0)>
module attributes {stable_mosaic.version = 14 : i64} {
  func.func @_sc_gather_body(%arg0: i32, %arg1: i32, %arg2: memref<1310720xf32, #tpu.memory_space<hbm>>, %arg3: memref<19200xf32, #tpu.memory_space<hbm>>, %arg4: memref<36864xf32, #tpu.memory_space<hbm>>, %arg5: memref<20480xf32, #tpu.memory_space<vmem>>, %arg6: memref<624xf32, #tpu.memory_space<vmem>>, %arg7: memref<1152xf32, #tpu.memory_space<vmem>>) attributes {dimension_semantics = [#tpu.dimension_semantics<core_parallel>, #tpu.dimension_semantics<subcore_parallel>], iteration_bounds = array<i64: 2, 16>, scalar_prefetch = 0 : i64, scratch_operands = 3 : i64, tpu.core_type = #tpu.core_type<sc_vector_subcore>, window_params = [{transform_indices = #map}, {transform_indices = #map}, {transform_indices = #map}]} {
    %mul3A = arith.constant 2 : i32
    %mul3A_0 = arith.muli %arg1, %mul3A : i32
    %add3A = arith.addi %mul3A_0, %arg0 : i32
    %mul3A_1 = arith.constant 600 : i32
    %mul3A_2 = arith.muli %add3A, %mul3A_1 : i32
    "tpu.region"() ({
      %run_scoped3A = tpu.sem_alloc : memref<!tpu.dma_semaphore, #tpu.memory_space<semaphore_mem>>
      %dma_start3A = arith.constant 0 : i32
      %dma_start3A_740 = tpu.memref_slice %arg6[%dma_start3A] : memref<624xf32, #tpu.memory_space<vmem>> -> memref<600xf32, #tpu.memory_space<vmem>>
      %dma_start3A_741 = tpu.memref_slice %arg3[%mul3A_2] : memref<19200xf32, #tpu.memory_space<hbm>> -> memref<600xf32, #tpu.memory_space<hbm>>
      %dma_start3A_742 = arith.constant 0 : i32
      %dma_start3A_743 = tpu.memref_slice %arg6[%dma_start3A_742] : memref<624xf32, #tpu.memory_space<vmem>> -> memref<600xf32, #tpu.memory_space<vmem>>
      %dma_start3A_744 = tpu.memref_slice %arg3[%mul3A_2] : memref<19200xf32, #tpu.memory_space<hbm>> -> memref<600xf32, #tpu.memory_space<hbm>>
      tpu.enqueue_dma source(%dma_start3A_744 : memref<600xf32, #tpu.memory_space<hbm>>) target(%dma_start3A_743 : memref<600xf32, #tpu.memory_space<vmem>>) target_semaphore(%run_scoped3A : memref<!tpu.dma_semaphore, #tpu.memory_space<semaphore_mem>>)
      %dma_wait3A = arith.constant 0 : i32
      %dma_wait3A_745 = tpu.memref_slice %arg6[%dma_wait3A] : memref<624xf32, #tpu.memory_space<vmem>> -> memref<600xf32, #tpu.memory_space<vmem>>
      %dma_wait3A_746 = tpu.memref_slice %arg3[%mul3A_2] : memref<19200xf32, #tpu.memory_space<hbm>> -> memref<600xf32, #tpu.memory_space<hbm>>
      %dma_wait3A_747 = arith.constant 0 : i32
      %dma_wait3A_748 = tpu.memref_slice %arg6[%dma_wait3A_747] : memref<624xf32, #tpu.memory_space<vmem>> -> memref<600xf32, #tpu.memory_space<vmem>>
      %dma_wait3A_749 = tpu.memref_slice %arg3[%mul3A_2] : memref<19200xf32, #tpu.memory_space<hbm>> -> memref<600xf32, #tpu.memory_space<hbm>>
      tpu.wait_dma2 semaphore(%run_scoped3A : memref<!tpu.dma_semaphore, #tpu.memory_space<semaphore_mem>>) src(%dma_wait3A_749 : memref<600xf32, #tpu.memory_space<hbm>>) dst(%dma_wait3A_748 : memref<600xf32, #tpu.memory_space<vmem>>)
      tpu.yield
    }) : () -> ()
    %mul3A_3 = arith.constant 2 : i32
    %mul3A_4 = arith.muli %add3A, %mul3A_3 : i32
    %add3A_5 = arith.constant 0 : i32
    %add3A_6 = arith.addi %mul3A_4, %add3A_5 : i32
    %mul3A_7 = arith.constant 20480 : i32
    %mul3A_8 = arith.muli %add3A_6, %mul3A_7 : i32
    "tpu.region"() ({
      %run_scoped3A = tpu.sem_alloc : memref<!tpu.dma_semaphore, #tpu.memory_space<semaphore_mem>>
      %dma_start3A = tpu.memref_slice %arg2[%mul3A_8] : memref<1310720xf32, #tpu.memory_space<hbm>> -> memref<20480xf32, #tpu.memory_space<hbm>>
      %dma_start3A_740 = tpu.memref_slice %arg2[%mul3A_8] : memref<1310720xf32, #tpu.memory_space<hbm>> -> memref<20480xf32, #tpu.memory_space<hbm>>
      tpu.enqueue_dma source(%dma_start3A_740 : memref<20480xf32, #tpu.memory_space<hbm>>) target(%arg5 : memref<20480xf32, #tpu.memory_space<vmem>>) target_semaphore(%run_scoped3A : memref<!tpu.dma_semaphore, #tpu.memory_space<semaphore_mem>>)
      %dma_wait3A = tpu.memref_slice %arg2[%mul3A_8] : memref<1310720xf32, #tpu.memory_space<hbm>> -> memref<20480xf32, #tpu.memory_space<hbm>>
      %dma_wait3A_741 = tpu.memref_slice %arg2[%mul3A_8] : memref<1310720xf32, #tpu.memory_space<hbm>> -> memref<20480xf32, #tpu.memory_space<hbm>>
      tpu.wait_dma2 semaphore(%run_scoped3A : memref<!tpu.dma_semaphore, #tpu.memory_space<semaphore_mem>>) src(%dma_wait3A_741 : memref<20480xf32, #tpu.memory_space<hbm>>) dst(%arg5 : memref<20480xf32, #tpu.memory_space<vmem>>)
      tpu.yield
    }) : () -> ()
    %iota3A = tpu.iota {dimensions = array<i32: 0>} : vector<16xi32>
    %add3A_9 = arith.constant 0 : i32
    %add3A_10 = vector.broadcast %add3A_9 : i32 to vector<16xi32>
    %add3A_11 = arith.addi %iota3A, %add3A_10 : vector<16xi32>
    %mul3A_12 = arith.constant 5 : i32
    %mul3A_13 = vector.broadcast %mul3A_12 : i32 to vector<16xi32>
    %mul3A_14 = arith.muli %add3A_11, %mul3A_13 : vector<16xi32>
    %add3A_15 = arith.constant 0 : i32
    %add3A_16 = vector.broadcast %add3A_15 : i32 to vector<16xi32>
    %add3A_17 = arith.addi %mul3A_14, %add3A_16 : vector<16xi32>
    %add3A_18 = arith.constant 1 : i32
    %add3A_19 = vector.broadcast %add3A_18 : i32 to vector<16xi32>
    %add3A_20 = arith.addi %add3A_17, %add3A_19 : vector<16xi32>
    %gather3A = tpu.vector_load_idx %arg6[%add3A_20] : memref<624xf32, #tpu.memory_space<vmem>>[vector<16xi32>], vector<16xf32>,
    %add3A_21 = arith.constant 2 : i32
    %add3A_22 = vector.broadcast %add3A_21 : i32 to vector<16xi32>
    %add3A_23 = arith.addi %add3A_17, %add3A_22 : vector<16xi32>
    %gather3A_24 = tpu.vector_load_idx %arg6[%add3A_23] : memref<624xf32, #tpu.memory_space<vmem>>[vector<16xi32>], vector<16xf32>,
    %add3A_25 = arith.constant 3 : i32
    %add3A_26 = vector.broadcast %add3A_25 : i32 to vector<16xi32>
    %add3A_27 = arith.addi %add3A_17, %add3A_26 : vector<16xi32>
    %gather3A_28 = tpu.vector_load_idx %arg6[%add3A_27] : memref<624xf32, #tpu.memory_space<vmem>>[vector<16xi32>], vector<16xf32>,
    %add3A_29 = arith.constant 4 : i32
    %add3A_30 = vector.broadcast %add3A_29 : i32 to vector<16xi32>
    %add3A_31 = arith.addi %add3A_17, %add3A_30 : vector<16xi32>
    %gather3A_32 = tpu.vector_load_idx %arg6[%add3A_31] : memref<624xf32, #tpu.memory_space<vmem>>[vector<16xi32>], vector<16xf32>,
    %mul3A_33 = arith.constant 6.400000e+01 : f32
    %mul3A_34 = vector.broadcast %mul3A_33 : f32 to vector<16xf32>
    %mul3A_35 = arith.mulf %gather3A, %mul3A_34 : vector<16xf32>
    %convert_element_type3A = arith.fptosi %mul3A_35 : vector<16xf32> to vector<16xi32>
    %jit3A = arith.constant 0 : i32
    %jit3A_36 = arith.constant 63 : i32
    %max3A = vector.broadcast %jit3A : i32 to vector<16xi32>
    %max3A_37 = arith.maxsi %max3A, %convert_element_type3A : vector<16xi32>
    %min3A = vector.broadcast %jit3A_36 : i32 to vector<16xi32>
    %min3A_38 = arith.minsi %min3A, %max3A_37 : vector<16xi32>
    %mul3A_39 = arith.constant 6.400000e+01 : f32
    %mul3A_40 = vector.broadcast %mul3A_39 : f32 to vector<16xf32>
    %mul3A_41 = arith.mulf %gather3A_24, %mul3A_40 : vector<16xf32>
    %convert_element_type3A_42 = arith.fptosi %mul3A_41 : vector<16xf32> to vector<16xi32>
    %jit3A_43 = arith.constant 0 : i32
    %jit3A_44 = arith.constant 63 : i32
    %max3A_45 = vector.broadcast %jit3A_43 : i32 to vector<16xi32>
    %max3A_46 = arith.maxsi %max3A_45, %convert_element_type3A_42 : vector<16xi32>
    %min3A_47 = vector.broadcast %jit3A_44 : i32 to vector<16xi32>
    %min3A_48 = arith.minsi %min3A_47, %max3A_46 : vector<16xi32>
    %mul3A_49 = arith.constant 64 : i32
    %mul3A_50 = vector.broadcast %mul3A_49 : i32 to vector<16xi32>
    %mul3A_51 = arith.muli %min3A_48, %mul3A_50 : vector<16xi32>
    %add3A_52 = arith.addi %mul3A_51, %min3A_38 : vector<16xi32>
    %mul3A_53 = arith.constant 5 : i32
    %mul3A_54 = vector.broadcast %mul3A_53 : i32 to vector<16xi32>
    %mul3A_55 = arith.muli %add3A_52, %mul3A_54 : vector<16xi32>
    %add3A_56 = arith.constant 0 : i32
    %add3A_57 = vector.broadcast %add3A_56 : i32 to vector<16xi32>
    %add3A_58 = arith.addi %mul3A_55, %add3A_57 : vector<16xi32>
    %gather3A_59 = tpu.vector_load_idx %arg5[%add3A_58] : memref<20480xf32, #tpu.memory_space<vmem>>[vector<16xi32>], vector<16xf32>,
    %swap3A = arith.constant 0 : index
    %swap3A_60 = tpu.vector_load %arg7[%swap3A] {strides = array<i32>} : memref<1152xf32, #tpu.memory_space<vmem>>, vector<16xf32>,
    tpu.vector_store %arg7[%swap3A], %gather3A_59 {strides = array<i32>} : memref<1152xf32, #tpu.memory_space<vmem>>, vector<16xf32>,
    %add3A_61 = arith.constant 1 : i32
    %add3A_62 = vector.broadcast %add3A_61 : i32 to vector<16xi32>
    %add3A_63 = arith.addi %mul3A_55, %add3A_62 : vector<16xi32>
    %gather3A_64 = tpu.vector_load_idx %arg5[%add3A_63] : memref<20480xf32, #tpu.memory_space<vmem>>[vector<16xi32>], vector<16xf32>,
    %swap3A_65 = arith.constant 64 : index
    %swap3A_66 = tpu.vector_load %arg7[%swap3A_65] {strides = array<i32>} : memref<1152xf32, #tpu.memory_space<vmem>>, vector<16xf32>,
    tpu.vector_store %arg7[%swap3A_65], %gather3A_64 {strides = array<i32>} : memref<1152xf32, #tpu.memory_space<vmem>>, vector<16xf32>,
    %add3A_67 = arith.constant 2 : i32
    %add3A_68 = vector.broadcast %add3A_67 : i32 to vector<16xi32>
    %add3A_69 = arith.addi %mul3A_55, %add3A_68 : vector<16xi32>
    %gather3A_70 = tpu.vector_load_idx %arg5[%add3A_69] : memref<20480xf32, #tpu.memory_space<vmem>>[vector<16xi32>], vector<16xf32>,
    %swap3A_71 = arith.constant 128 : index
    %swap3A_72 = tpu.vector_load %arg7[%swap3A_71] {strides = array<i32>} : memref<1152xf32, #tpu.memory_space<vmem>>, vector<16xf32>,
    tpu.vector_store %arg7[%swap3A_71], %gather3A_70 {strides = array<i32>} : memref<1152xf32, #tpu.memory_space<vmem>>, vector<16xf32>,
    %add3A_73 = arith.constant 3 : i32
    %add3A_74 = vector.broadcast %add3A_73 : i32 to vector<16xi32>
    %add3A_75 = arith.addi %mul3A_55, %add3A_74 : vector<16xi32>
    %gather3A_76 = tpu.vector_load_idx %arg5[%add3A_75] : memref<20480xf32, #tpu.memory_space<vmem>>[vector<16xi32>], vector<16xf32>,
    %swap3A_77 = arith.constant 192 : index
    %swap3A_78 = tpu.vector_load %arg7[%swap3A_77] {strides = array<i32>} : memref<1152xf32, #tpu.memory_space<vmem>>, vector<16xf32>,
    tpu.vector_store %arg7[%swap3A_77], %gather3A_76 {strides = array<i32>} : memref<1152xf32, #tpu.memory_space<vmem>>, vector<16xf32>,
    %add3A_79 = arith.constant 4 : i32
    %add3A_80 = vector.broadcast %add3A_79 : i32 to vector<16xi32>
    %add3A_81 = arith.addi %mul3A_55, %add3A_80 : vector<16xi32>
    %gather3A_82 = tpu.vector_load_idx %arg5[%add3A_81] : memref<20480xf32, #tpu.memory_space<vmem>>[vector<16xi32>], vector<16xf32>,
    %swap3A_83 = arith.constant 256 : index
    %swap3A_84 = tpu.vector_load %arg7[%swap3A_83] {strides = array<i32>} : memref<1152xf32, #tpu.memory_space<vmem>>, vector<16xf32>,
    tpu.vector_store %arg7[%swap3A_83], %gather3A_82 {strides = array<i32>} : memref<1152xf32, #tpu.memory_space<vmem>>, vector<16xf32>,
    %swap3A_85 = arith.constant 320 : index
    %swap3A_86 = tpu.vector_load %arg7[%swap3A_85] {strides = array<i32>} : memref<1152xf32, #tpu.memory_space<vmem>>, vector<16xf32>,
    tpu.vector_store %arg7[%swap3A_85], %gather3A {strides = array<i32>} : memref<1152xf32, #tpu.memory_space<vmem>>, vector<16xf32>,
    %swap3A_87 = arith.constant 384 : index
    %swap3A_88 = tpu.vector_load %arg7[%swap3A_87] {strides = array<i32>} : memref<1152xf32, #tpu.memory_space<vmem>>, vector<16xf32>,
    tpu.vector_store %arg7[%swap3A_87], %gather3A_24 {strides = array<i32>} : memref<1152xf32, #tpu.memory_space<vmem>>, vector<16xf32>,
    %swap3A_89 = arith.constant 448 : index
    %swap3A_90 = tpu.vector_load %arg7[%swap3A_89] {strides = array<i32>} : memref<1152xf32, #tpu.memory_space<vmem>>, vector<16xf32>,
    tpu.vector_store %arg7[%swap3A_89], %gather3A_28 {strides = array<i32>} : memref<1152xf32, #tpu.memory_space<vmem>>, vector<16xf32>,
    %swap3A_91 = arith.constant 512 : index
    %swap3A_92 = tpu.vector_load %arg7[%swap3A_91] {strides = array<i32>} : memref<1152xf32, #tpu.memory_space<vmem>>, vector<16xf32>,
    tpu.vector_store %arg7[%swap3A_91], %gather3A_32 {strides = array<i32>} : memref<1152xf32, #tpu.memory_space<vmem>>, vector<16xf32>,
    %iota3A_93 = tpu.iota {dimensions = array<i32: 0>} : vector<16xi32>
    %add3A_94 = arith.constant 16 : i32
    %add3A_95 = vector.broadcast %add3A_94 : i32 to vector<16xi32>
    %add3A_96 = arith.addi %iota3A_93, %add3A_95 : vector<16xi32>
    %mul3A_97 = arith.constant 5 : i32
    %mul3A_98 = vector.broadcast %mul3A_97 : i32 to vector<16xi32>
    %mul3A_99 = arith.muli %add3A_96, %mul3A_98 : vector<16xi32>
    %add3A_100 = arith.constant 0 : i32
    %add3A_101 = vector.broadcast %add3A_100 : i32 to vector<16xi32>
    %add3A_102 = arith.addi %mul3A_99, %add3A_101 : vector<16xi32>
    %add3A_103 = arith.constant 1 : i32
    %add3A_104 = vector.broadcast %add3A_103 : i32 to vector<16xi32>
    %add3A_105 = arith.addi %add3A_102, %add3A_104 : vector<16xi32>
    %gather3A_106 = tpu.vector_load_idx %arg6[%add3A_105] : memref<624xf32, #tpu.memory_space<vmem>>[vector<16xi32>], vector<16xf32>,
    %add3A_107 = arith.constant 2 : i32
    %add3A_108 = vector.broadcast %add3A_107 : i32 to vector<16xi32>
    %add3A_109 = arith.addi %add3A_102, %add3A_108 : vector<16xi32>
    %gather3A_110 = tpu.vector_load_idx %arg6[%add3A_109] : memref<624xf32, #tpu.memory_space<vmem>>[vector<16xi32>], vector<16xf32>,
    %add3A_111 = arith.constant 3 : i32
    %add3A_112 = vector.broadcast %add3A_111 : i32 to vector<16xi32>
    %add3A_113 = arith.addi %add3A_102, %add3A_112 : vector<16xi32>
    %gather3A_114 = tpu.vector_load_idx %arg6[%add3A_113] : memref<624xf32, #tpu.memory_space<vmem>>[vector<16xi32>], vector<16xf32>,
    %add3A_115 = arith.constant 4 : i32
    %add3A_116 = vector.broadcast %add3A_115 : i32 to vector<16xi32>
    %add3A_117 = arith.addi %add3A_102, %add3A_116 : vector<16xi32>
    %gather3A_118 = tpu.vector_load_idx %arg6[%add3A_117] : memref<624xf32, #tpu.memory_space<vmem>>[vector<16xi32>], vector<16xf32>,
    %mul3A_119 = arith.constant 6.400000e+01 : f32
    %mul3A_120 = vector.broadcast %mul3A_119 : f32 to vector<16xf32>
    %mul3A_121 = arith.mulf %gather3A_106, %mul3A_120 : vector<16xf32>
    %convert_element_type3A_122 = arith.fptosi %mul3A_121 : vector<16xf32> to vector<16xi32>
    %jit3A_123 = arith.constant 0 : i32
    %jit3A_124 = arith.constant 63 : i32
    %max3A_125 = vector.broadcast %jit3A_123 : i32 to vector<16xi32>
    %max3A_126 = arith.maxsi %max3A_125, %convert_element_type3A_122 : vector<16xi32>
    %min3A_127 = vector.broadcast %jit3A_124 : i32 to vector<16xi32>
    %min3A_128 = arith.minsi %min3A_127, %max3A_126 : vector<16xi32>
    %mul3A_129 = arith.constant 6.400000e+01 : f32
    %mul3A_130 = vector.broadcast %mul3A_129 : f32 to vector<16xf32>
    %mul3A_131 = arith.mulf %gather3A_110, %mul3A_130 : vector<16xf32>
    %convert_element_type3A_132 = arith.fptosi %mul3A_131 : vector<16xf32> to vector<16xi32>
    %jit3A_133 = arith.constant 0 : i32
    %jit3A_134 = arith.constant 63 : i32
    %max3A_135 = vector.broadcast %jit3A_133 : i32 to vector<16xi32>
    %max3A_136 = arith.maxsi %max3A_135, %convert_element_type3A_132 : vector<16xi32>
    %min3A_137 = vector.broadcast %jit3A_134 : i32 to vector<16xi32>
    %min3A_138 = arith.minsi %min3A_137, %max3A_136 : vector<16xi32>
    %mul3A_139 = arith.constant 64 : i32
    %mul3A_140 = vector.broadcast %mul3A_139 : i32 to vector<16xi32>
    %mul3A_141 = arith.muli %min3A_138, %mul3A_140 : vector<16xi32>
    %add3A_142 = arith.addi %mul3A_141, %min3A_128 : vector<16xi32>
    %mul3A_143 = arith.constant 5 : i32
    %mul3A_144 = vector.broadcast %mul3A_143 : i32 to vector<16xi32>
    %mul3A_145 = arith.muli %add3A_142, %mul3A_144 : vector<16xi32>
    %add3A_146 = arith.constant 0 : i32
    %add3A_147 = vector.broadcast %add3A_146 : i32 to vector<16xi32>
    %add3A_148 = arith.addi %mul3A_145, %add3A_147 : vector<16xi32>
    %gather3A_149 = tpu.vector_load_idx %arg5[%add3A_148] : memref<20480xf32, #tpu.memory_space<vmem>>[vector<16xi32>], vector<16xf32>,
    %swap3A_150 = arith.constant 16 : index
    %swap3A_151 = tpu.vector_load %arg7[%swap3A_150] {strides = array<i32>} : memref<1152xf32, #tpu.memory_space<vmem>>, vector<16xf32>,
    tpu.vector_store %arg7[%swap3A_150], %gather3A_149 {strides = array<i32>} : memref<1152xf32, #tpu.memory_space<vmem>>, vector<16xf32>,
    %add3A_152 = arith.constant 1 : i32
    %add3A_153 = vector.broadcast %add3A_152 : i32 to vector<16xi32>
    %add3A_154 = arith.addi %mul3A_145, %add3A_153 : vector<16xi32>
    %gather3A_155 = tpu.vector_load_idx %arg5[%add3A_154] : memref<20480xf32, #tpu.memory_space<vmem>>[vector<16xi32>], vector<16xf32>,
    %swap3A_156 = arith.constant 80 : index
    %swap3A_157 = tpu.vector_load %arg7[%swap3A_156] {strides = array<i32>} : memref<1152xf32, #tpu.memory_space<vmem>>, vector<16xf32>,
    tpu.vector_store %arg7[%swap3A_156], %gather3A_155 {strides = array<i32>} : memref<1152xf32, #tpu.memory_space<vmem>>, vector<16xf32>,
    %add3A_158 = arith.constant 2 : i32
    %add3A_159 = vector.broadcast %add3A_158 : i32 to vector<16xi32>
    %add3A_160 = arith.addi %mul3A_145, %add3A_159 : vector<16xi32>
    %gather3A_161 = tpu.vector_load_idx %arg5[%add3A_160] : memref<20480xf32, #tpu.memory_space<vmem>>[vector<16xi32>], vector<16xf32>,
    %swap3A_162 = arith.constant 144 : index
    %swap3A_163 = tpu.vector_load %arg7[%swap3A_162] {strides = array<i32>} : memref<1152xf32, #tpu.memory_space<vmem>>, vector<16xf32>,
    tpu.vector_store %arg7[%swap3A_162], %gather3A_161 {strides = array<i32>} : memref<1152xf32, #tpu.memory_space<vmem>>, vector<16xf32>,
    %add3A_164 = arith.constant 3 : i32
    %add3A_165 = vector.broadcast %add3A_164 : i32 to vector<16xi32>
    %add3A_166 = arith.addi %mul3A_145, %add3A_165 : vector<16xi32>
    %gather3A_167 = tpu.vector_load_idx %arg5[%add3A_166] : memref<20480xf32, #tpu.memory_space<vmem>>[vector<16xi32>], vector<16xf32>,
    %swap3A_168 = arith.constant 208 : index
    %swap3A_169 = tpu.vector_load %arg7[%swap3A_168] {strides = array<i32>} : memref<1152xf32, #tpu.memory_space<vmem>>, vector<16xf32>,
    tpu.vector_store %arg7[%swap3A_168], %gather3A_167 {strides = array<i32>} : memref<1152xf32, #tpu.memory_space<vmem>>, vector<16xf32>,
    %add3A_170 = arith.constant 4 : i32
    %add3A_171 = vector.broadcast %add3A_170 : i32 to vector<16xi32>
    %add3A_172 = arith.addi %mul3A_145, %add3A_171 : vector<16xi32>
    %gather3A_173 = tpu.vector_load_idx %arg5[%add3A_172] : memref<20480xf32, #tpu.memory_space<vmem>>[vector<16xi32>], vector<16xf32>,
    %swap3A_174 = arith.constant 272 : index
    %swap3A_175 = tpu.vector_load %arg7[%swap3A_174] {strides = array<i32>} : memref<1152xf32, #tpu.memory_space<vmem>>, vector<16xf32>,
    tpu.vector_store %arg7[%swap3A_174], %gather3A_173 {strides = array<i32>} : memref<1152xf32, #tpu.memory_space<vmem>>, vector<16xf32>,
    %swap3A_176 = arith.constant 336 : index
    %swap3A_177 = tpu.vector_load %arg7[%swap3A_176] {strides = array<i32>} : memref<1152xf32, #tpu.memory_space<vmem>>, vector<16xf32>,
    tpu.vector_store %arg7[%swap3A_176], %gather3A_106 {strides = array<i32>} : memref<1152xf32, #tpu.memory_space<vmem>>, vector<16xf32>,
    %swap3A_178 = arith.constant 400 : index
    %swap3A_179 = tpu.vector_load %arg7[%swap3A_178] {strides = array<i32>} : memref<1152xf32, #tpu.memory_space<vmem>>, vector<16xf32>,
    tpu.vector_store %arg7[%swap3A_178], %gather3A_110 {strides = array<i32>} : memref<1152xf32, #tpu.memory_space<vmem>>, vector<16xf32>,
    %swap3A_180 = arith.constant 464 : index
    %swap3A_181 = tpu.vector_load %arg7[%swap3A_180] {strides = array<i32>} : memref<1152xf32, #tpu.memory_space<vmem>>, vector<16xf32>,
    tpu.vector_store %arg7[%swap3A_180], %gather3A_114 {strides = array<i32>} : memref<1152xf32, #tpu.memory_space<vmem>>, vector<16xf32>,
    %swap3A_182 = arith.constant 528 : index
    %swap3A_183 = tpu.vector_load %arg7[%swap3A_182] {strides = array<i32>} : memref<1152xf32, #tpu.memory_space<vmem>>, vector<16xf32>,
    tpu.vector_store %arg7[%swap3A_182], %gather3A_118 {strides = array<i32>} : memref<1152xf32, #tpu.memory_space<vmem>>, vector<16xf32>,
    %iota3A_184 = tpu.iota {dimensions = array<i32: 0>} : vector<16xi32>
    %add3A_185 = arith.constant 32 : i32
    %add3A_186 = vector.broadcast %add3A_185 : i32 to vector<16xi32>
    %add3A_187 = arith.addi %iota3A_184, %add3A_186 : vector<16xi32>
    %mul3A_188 = arith.constant 5 : i32
    %mul3A_189 = vector.broadcast %mul3A_188 : i32 to vector<16xi32>
    %mul3A_190 = arith.muli %add3A_187, %mul3A_189 : vector<16xi32>
    %add3A_191 = arith.constant 0 : i32
    %add3A_192 = vector.broadcast %add3A_191 : i32 to vector<16xi32>
    %add3A_193 = arith.addi %mul3A_190, %add3A_192 : vector<16xi32>
    %add3A_194 = arith.constant 1 : i32
    %add3A_195 = vector.broadcast %add3A_194 : i32 to vector<16xi32>
    %add3A_196 = arith.addi %add3A_193, %add3A_195 : vector<16xi32>
    %gather3A_197 = tpu.vector_load_idx %arg6[%add3A_196] : memref<624xf32, #tpu.memory_space<vmem>>[vector<16xi32>], vector<16xf32>,
    %add3A_198 = arith.constant 2 : i32
    %add3A_199 = vector.broadcast %add3A_198 : i32 to vector<16xi32>
    %add3A_200 = arith.addi %add3A_193, %add3A_199 : vector<16xi32>
    %gather3A_201 = tpu.vector_load_idx %arg6[%add3A_200] : memref<624xf32, #tpu.memory_space<vmem>>[vector<16xi32>], vector<16xf32>,
    %add3A_202 = arith.constant 3 : i32
    %add3A_203 = vector.broadcast %add3A_202 : i32 to vector<16xi32>
    %add3A_204 = arith.addi %add3A_193, %add3A_203 : vector<16xi32>
    %gather3A_205 = tpu.vector_load_idx %arg6[%add3A_204] : memref<624xf32, #tpu.memory_space<vmem>>[vector<16xi32>], vector<16xf32>,
    %add3A_206 = arith.constant 4 : i32
    %add3A_207 = vector.broadcast %add3A_206 : i32 to vector<16xi32>
    %add3A_208 = arith.addi %add3A_193, %add3A_207 : vector<16xi32>
    %gather3A_209 = tpu.vector_load_idx %arg6[%add3A_208] : memref<624xf32, #tpu.memory_space<vmem>>[vector<16xi32>], vector<16xf32>,
    %mul3A_210 = arith.constant 6.400000e+01 : f32
    %mul3A_211 = vector.broadcast %mul3A_210 : f32 to vector<16xf32>
    %mul3A_212 = arith.mulf %gather3A_197, %mul3A_211 : vector<16xf32>
    %convert_element_type3A_213 = arith.fptosi %mul3A_212 : vector<16xf32> to vector<16xi32>
    %jit3A_214 = arith.constant 0 : i32
    %jit3A_215 = arith.constant 63 : i32
    %max3A_216 = vector.broadcast %jit3A_214 : i32 to vector<16xi32>
    %max3A_217 = arith.maxsi %max3A_216, %convert_element_type3A_213 : vector<16xi32>
    %min3A_218 = vector.broadcast %jit3A_215 : i32 to vector<16xi32>
    %min3A_219 = arith.minsi %min3A_218, %max3A_217 : vector<16xi32>
    %mul3A_220 = arith.constant 6.400000e+01 : f32
    %mul3A_221 = vector.broadcast %mul3A_220 : f32 to vector<16xf32>
    %mul3A_222 = arith.mulf %gather3A_201, %mul3A_221 : vector<16xf32>
    %convert_element_type3A_223 = arith.fptosi %mul3A_222 : vector<16xf32> to vector<16xi32>
    %jit3A_224 = arith.constant 0 : i32
    %jit3A_225 = arith.constant 63 : i32
    %max3A_226 = vector.broadcast %jit3A_224 : i32 to vector<16xi32>
    %max3A_227 = arith.maxsi %max3A_226, %convert_element_type3A_223 : vector<16xi32>
    %min3A_228 = vector.broadcast %jit3A_225 : i32 to vector<16xi32>
    %min3A_229 = arith.minsi %min3A_228, %max3A_227 : vector<16xi32>
    %mul3A_230 = arith.constant 64 : i32
    %mul3A_231 = vector.broadcast %mul3A_230 : i32 to vector<16xi32>
    %mul3A_232 = arith.muli %min3A_229, %mul3A_231 : vector<16xi32>
    %add3A_233 = arith.addi %mul3A_232, %min3A_219 : vector<16xi32>
    %mul3A_234 = arith.constant 5 : i32
    %mul3A_235 = vector.broadcast %mul3A_234 : i32 to vector<16xi32>
    %mul3A_236 = arith.muli %add3A_233, %mul3A_235 : vector<16xi32>
    %add3A_237 = arith.constant 0 : i32
    %add3A_238 = vector.broadcast %add3A_237 : i32 to vector<16xi32>
    %add3A_239 = arith.addi %mul3A_236, %add3A_238 : vector<16xi32>
    %gather3A_240 = tpu.vector_load_idx %arg5[%add3A_239] : memref<20480xf32, #tpu.memory_space<vmem>>[vector<16xi32>], vector<16xf32>,
    %swap3A_241 = arith.constant 32 : index
    %swap3A_242 = tpu.vector_load %arg7[%swap3A_241] {strides = array<i32>} : memref<1152xf32, #tpu.memory_space<vmem>>, vector<16xf32>,
    tpu.vector_store %arg7[%swap3A_241], %gather3A_240 {strides = array<i32>} : memref<1152xf32, #tpu.memory_space<vmem>>, vector<16xf32>,
    %add3A_243 = arith.constant 1 : i32
    %add3A_244 = vector.broadcast %add3A_243 : i32 to vector<16xi32>
    %add3A_245 = arith.addi %mul3A_236, %add3A_244 : vector<16xi32>
    %gather3A_246 = tpu.vector_load_idx %arg5[%add3A_245] : memref<20480xf32, #tpu.memory_space<vmem>>[vector<16xi32>], vector<16xf32>,
    %swap3A_247 = arith.constant 96 : index
    %swap3A_248 = tpu.vector_load %arg7[%swap3A_247] {strides = array<i32>} : memref<1152xf32, #tpu.memory_space<vmem>>, vector<16xf32>,
    tpu.vector_store %arg7[%swap3A_247], %gather3A_246 {strides = array<i32>} : memref<1152xf32, #tpu.memory_space<vmem>>, vector<16xf32>,
    %add3A_249 = arith.constant 2 : i32
    %add3A_250 = vector.broadcast %add3A_249 : i32 to vector<16xi32>
    %add3A_251 = arith.addi %mul3A_236, %add3A_250 : vector<16xi32>
    %gather3A_252 = tpu.vector_load_idx %arg5[%add3A_251] : memref<20480xf32, #tpu.memory_space<vmem>>[vector<16xi32>], vector<16xf32>,
    %swap3A_253 = arith.constant 160 : index
    %swap3A_254 = tpu.vector_load %arg7[%swap3A_253] {strides = array<i32>} : memref<1152xf32, #tpu.memory_space<vmem>>, vector<16xf32>,
    tpu.vector_store %arg7[%swap3A_253], %gather3A_252 {strides = array<i32>} : memref<1152xf32, #tpu.memory_space<vmem>>, vector<16xf32>,
    %add3A_255 = arith.constant 3 : i32
    %add3A_256 = vector.broadcast %add3A_255 : i32 to vector<16xi32>
    %add3A_257 = arith.addi %mul3A_236, %add3A_256 : vector<16xi32>
    %gather3A_258 = tpu.vector_load_idx %arg5[%add3A_257] : memref<20480xf32, #tpu.memory_space<vmem>>[vector<16xi32>], vector<16xf32>,
    %swap3A_259 = arith.constant 224 : index
    %swap3A_260 = tpu.vector_load %arg7[%swap3A_259] {strides = array<i32>} : memref<1152xf32, #tpu.memory_space<vmem>>, vector<16xf32>,
    tpu.vector_store %arg7[%swap3A_259], %gather3A_258 {strides = array<i32>} : memref<1152xf32, #tpu.memory_space<vmem>>, vector<16xf32>,
    %add3A_261 = arith.constant 4 : i32
    %add3A_262 = vector.broadcast %add3A_261 : i32 to vector<16xi32>
    %add3A_263 = arith.addi %mul3A_236, %add3A_262 : vector<16xi32>
    %gather3A_264 = tpu.vector_load_idx %arg5[%add3A_263] : memref<20480xf32, #tpu.memory_space<vmem>>[vector<16xi32>], vector<16xf32>,
    %swap3A_265 = arith.constant 288 : index
    %swap3A_266 = tpu.vector_load %arg7[%swap3A_265] {strides = array<i32>} : memref<1152xf32, #tpu.memory_space<vmem>>, vector<16xf32>,
    tpu.vector_store %arg7[%swap3A_265], %gather3A_264 {strides = array<i32>} : memref<1152xf32, #tpu.memory_space<vmem>>, vector<16xf32>,
    %swap3A_267 = arith.constant 352 : index
    %swap3A_268 = tpu.vector_load %arg7[%swap3A_267] {strides = array<i32>} : memref<1152xf32, #tpu.memory_space<vmem>>, vector<16xf32>,
    tpu.vector_store %arg7[%swap3A_267], %gather3A_197 {strides = array<i32>} : memref<1152xf32, #tpu.memory_space<vmem>>, vector<16xf32>,
    %swap3A_269 = arith.constant 416 : index
    %swap3A_270 = tpu.vector_load %arg7[%swap3A_269] {strides = array<i32>} : memref<1152xf32, #tpu.memory_space<vmem>>, vector<16xf32>,
    tpu.vector_store %arg7[%swap3A_269], %gather3A_201 {strides = array<i32>} : memref<1152xf32, #tpu.memory_space<vmem>>, vector<16xf32>,
    %swap3A_271 = arith.constant 480 : index
    %swap3A_272 = tpu.vector_load %arg7[%swap3A_271] {strides = array<i32>} : memref<1152xf32, #tpu.memory_space<vmem>>, vector<16xf32>,
    tpu.vector_store %arg7[%swap3A_271], %gather3A_205 {strides = array<i32>} : memref<1152xf32, #tpu.memory_space<vmem>>, vector<16xf32>,
    %swap3A_273 = arith.constant 544 : index
    %swap3A_274 = tpu.vector_load %arg7[%swap3A_273] {strides = array<i32>} : memref<1152xf32, #tpu.memory_space<vmem>>, vector<16xf32>,
    tpu.vector_store %arg7[%swap3A_273], %gather3A_209 {strides = array<i32>} : memref<1152xf32, #tpu.memory_space<vmem>>, vector<16xf32>,
    %iota3A_275 = tpu.iota {dimensions = array<i32: 0>} : vector<16xi32>
    %add3A_276 = arith.constant 48 : i32
    %add3A_277 = vector.broadcast %add3A_276 : i32 to vector<16xi32>
    %add3A_278 = arith.addi %iota3A_275, %add3A_277 : vector<16xi32>
    %mul3A_279 = arith.constant 5 : i32
    %mul3A_280 = vector.broadcast %mul3A_279 : i32 to vector<16xi32>
    %mul3A_281 = arith.muli %add3A_278, %mul3A_280 : vector<16xi32>
    %add3A_282 = arith.constant 0 : i32
    %add3A_283 = vector.broadcast %add3A_282 : i32 to vector<16xi32>
    %add3A_284 = arith.addi %mul3A_281, %add3A_283 : vector<16xi32>
    %add3A_285 = arith.constant 1 : i32
    %add3A_286 = vector.broadcast %add3A_285 : i32 to vector<16xi32>
    %add3A_287 = arith.addi %add3A_284, %add3A_286 : vector<16xi32>
    %gather3A_288 = tpu.vector_load_idx %arg6[%add3A_287] : memref<624xf32, #tpu.memory_space<vmem>>[vector<16xi32>], vector<16xf32>,
    %add3A_289 = arith.constant 2 : i32
    %add3A_290 = vector.broadcast %add3A_289 : i32 to vector<16xi32>
    %add3A_291 = arith.addi %add3A_284, %add3A_290 : vector<16xi32>
    %gather3A_292 = tpu.vector_load_idx %arg6[%add3A_291] : memref<624xf32, #tpu.memory_space<vmem>>[vector<16xi32>], vector<16xf32>,
    %add3A_293 = arith.constant 3 : i32
    %add3A_294 = vector.broadcast %add3A_293 : i32 to vector<16xi32>
    %add3A_295 = arith.addi %add3A_284, %add3A_294 : vector<16xi32>
    %gather3A_296 = tpu.vector_load_idx %arg6[%add3A_295] : memref<624xf32, #tpu.memory_space<vmem>>[vector<16xi32>], vector<16xf32>,
    %add3A_297 = arith.constant 4 : i32
    %add3A_298 = vector.broadcast %add3A_297 : i32 to vector<16xi32>
    %add3A_299 = arith.addi %add3A_284, %add3A_298 : vector<16xi32>
    %gather3A_300 = tpu.vector_load_idx %arg6[%add3A_299] : memref<624xf32, #tpu.memory_space<vmem>>[vector<16xi32>], vector<16xf32>,
    %mul3A_301 = arith.constant 6.400000e+01 : f32
    %mul3A_302 = vector.broadcast %mul3A_301 : f32 to vector<16xf32>
    %mul3A_303 = arith.mulf %gather3A_288, %mul3A_302 : vector<16xf32>
    %convert_element_type3A_304 = arith.fptosi %mul3A_303 : vector<16xf32> to vector<16xi32>
    %jit3A_305 = arith.constant 0 : i32
    %jit3A_306 = arith.constant 63 : i32
    %max3A_307 = vector.broadcast %jit3A_305 : i32 to vector<16xi32>
    %max3A_308 = arith.maxsi %max3A_307, %convert_element_type3A_304 : vector<16xi32>
    %min3A_309 = vector.broadcast %jit3A_306 : i32 to vector<16xi32>
    %min3A_310 = arith.minsi %min3A_309, %max3A_308 : vector<16xi32>
    %mul3A_311 = arith.constant 6.400000e+01 : f32
    %mul3A_312 = vector.broadcast %mul3A_311 : f32 to vector<16xf32>
    %mul3A_313 = arith.mulf %gather3A_292, %mul3A_312 : vector<16xf32>
    %convert_element_type3A_314 = arith.fptosi %mul3A_313 : vector<16xf32> to vector<16xi32>
    %jit3A_315 = arith.constant 0 : i32
    %jit3A_316 = arith.constant 63 : i32
    %max3A_317 = vector.broadcast %jit3A_315 : i32 to vector<16xi32>
    %max3A_318 = arith.maxsi %max3A_317, %convert_element_type3A_314 : vector<16xi32>
    %min3A_319 = vector.broadcast %jit3A_316 : i32 to vector<16xi32>
    %min3A_320 = arith.minsi %min3A_319, %max3A_318 : vector<16xi32>
    %mul3A_321 = arith.constant 64 : i32
    %mul3A_322 = vector.broadcast %mul3A_321 : i32 to vector<16xi32>
    %mul3A_323 = arith.muli %min3A_320, %mul3A_322 : vector<16xi32>
    %add3A_324 = arith.addi %mul3A_323, %min3A_310 : vector<16xi32>
    %mul3A_325 = arith.constant 5 : i32
    %mul3A_326 = vector.broadcast %mul3A_325 : i32 to vector<16xi32>
    %mul3A_327 = arith.muli %add3A_324, %mul3A_326 : vector<16xi32>
    %add3A_328 = arith.constant 0 : i32
    %add3A_329 = vector.broadcast %add3A_328 : i32 to vector<16xi32>
    %add3A_330 = arith.addi %mul3A_327, %add3A_329 : vector<16xi32>
    %gather3A_331 = tpu.vector_load_idx %arg5[%add3A_330] : memref<20480xf32, #tpu.memory_space<vmem>>[vector<16xi32>], vector<16xf32>,
    %swap3A_332 = arith.constant 48 : index
    %swap3A_333 = tpu.vector_load %arg7[%swap3A_332] {strides = array<i32>} : memref<1152xf32, #tpu.memory_space<vmem>>, vector<16xf32>,
    tpu.vector_store %arg7[%swap3A_332], %gather3A_331 {strides = array<i32>} : memref<1152xf32, #tpu.memory_space<vmem>>, vector<16xf32>,
    %add3A_334 = arith.constant 1 : i32
    %add3A_335 = vector.broadcast %add3A_334 : i32 to vector<16xi32>
    %add3A_336 = arith.addi %mul3A_327, %add3A_335 : vector<16xi32>
    %gather3A_337 = tpu.vector_load_idx %arg5[%add3A_336] : memref<20480xf32, #tpu.memory_space<vmem>>[vector<16xi32>], vector<16xf32>,
    %swap3A_338 = arith.constant 112 : index
    %swap3A_339 = tpu.vector_load %arg7[%swap3A_338] {strides = array<i32>} : memref<1152xf32, #tpu.memory_space<vmem>>, vector<16xf32>,
    tpu.vector_store %arg7[%swap3A_338], %gather3A_337 {strides = array<i32>} : memref<1152xf32, #tpu.memory_space<vmem>>, vector<16xf32>,
    %add3A_340 = arith.constant 2 : i32
    %add3A_341 = vector.broadcast %add3A_340 : i32 to vector<16xi32>
    %add3A_342 = arith.addi %mul3A_327, %add3A_341 : vector<16xi32>
    %gather3A_343 = tpu.vector_load_idx %arg5[%add3A_342] : memref<20480xf32, #tpu.memory_space<vmem>>[vector<16xi32>], vector<16xf32>,
    %swap3A_344 = arith.constant 176 : index
    %swap3A_345 = tpu.vector_load %arg7[%swap3A_344] {strides = array<i32>} : memref<1152xf32, #tpu.memory_space<vmem>>, vector<16xf32>,
    tpu.vector_store %arg7[%swap3A_344], %gather3A_343 {strides = array<i32>} : memref<1152xf32, #tpu.memory_space<vmem>>, vector<16xf32>,
    %add3A_346 = arith.constant 3 : i32
    %add3A_347 = vector.broadcast %add3A_346 : i32 to vector<16xi32>
    %add3A_348 = arith.addi %mul3A_327, %add3A_347 : vector<16xi32>
    %gather3A_349 = tpu.vector_load_idx %arg5[%add3A_348] : memref<20480xf32, #tpu.memory_space<vmem>>[vector<16xi32>], vector<16xf32>,
    %swap3A_350 = arith.constant 240 : index
    %swap3A_351 = tpu.vector_load %arg7[%swap3A_350] {strides = array<i32>} : memref<1152xf32, #tpu.memory_space<vmem>>, vector<16xf32>,
    tpu.vector_store %arg7[%swap3A_350], %gather3A_349 {strides = array<i32>} : memref<1152xf32, #tpu.memory_space<vmem>>, vector<16xf32>,
    %add3A_352 = arith.constant 4 : i32
    %add3A_353 = vector.broadcast %add3A_352 : i32 to vector<16xi32>
    %add3A_354 = arith.addi %mul3A_327, %add3A_353 : vector<16xi32>
    %gather3A_355 = tpu.vector_load_idx %arg5[%add3A_354] : memref<20480xf32, #tpu.memory_space<vmem>>[vector<16xi32>], vector<16xf32>,
    %swap3A_356 = arith.constant 304 : index
    %swap3A_357 = tpu.vector_load %arg7[%swap3A_356] {strides = array<i32>} : memref<1152xf32, #tpu.memory_space<vmem>>, vector<16xf32>,
    tpu.vector_store %arg7[%swap3A_356], %gather3A_355 {strides = array<i32>} : memref<1152xf32, #tpu.memory_space<vmem>>, vector<16xf32>,
    %swap3A_358 = arith.constant 368 : index
    %swap3A_359 = tpu.vector_load %arg7[%swap3A_358] {strides = array<i32>} : memref<1152xf32, #tpu.memory_space<vmem>>, vector<16xf32>,
    tpu.vector_store %arg7[%swap3A_358], %gather3A_288 {strides = array<i32>} : memref<1152xf32, #tpu.memory_space<vmem>>, vector<16xf32>,
    %swap3A_360 = arith.constant 432 : index
    %swap3A_361 = tpu.vector_load %arg7[%swap3A_360] {strides = array<i32>} : memref<1152xf32, #tpu.memory_space<vmem>>, vector<16xf32>,
    tpu.vector_store %arg7[%swap3A_360], %gather3A_292 {strides = array<i32>} : memref<1152xf32, #tpu.memory_space<vmem>>, vector<16xf32>,
    %swap3A_362 = arith.constant 496 : index
    %swap3A_363 = tpu.vector_load %arg7[%swap3A_362] {strides = array<i32>} : memref<1152xf32, #tpu.memory_space<vmem>>, vector<16xf32>,
    tpu.vector_store %arg7[%swap3A_362], %gather3A_296 {strides = array<i32>} : memref<1152xf32, #tpu.memory_space<vmem>>, vector<16xf32>,
    %swap3A_364 = arith.constant 560 : index
    %swap3A_365 = tpu.vector_load %arg7[%swap3A_364] {strides = array<i32>} : memref<1152xf32, #tpu.memory_space<vmem>>, vector<16xf32>,
    tpu.vector_store %arg7[%swap3A_364], %gather3A_300 {strides = array<i32>} : memref<1152xf32, #tpu.memory_space<vmem>>, vector<16xf32>,
    %mul3A_366 = arith.constant 2 : i32
    %mul3A_367 = arith.muli %add3A, %mul3A_366 : i32
    %add3A_368 = arith.constant 1 : i32
    %add3A_369 = arith.addi %mul3A_367, %add3A_368 : i32
    %mul3A_370 = arith.constant 20480 : i32
    %mul3A_371 = arith.muli %add3A_369, %mul3A_370 : i32
    "tpu.region"() ({
      %run_scoped3A = tpu.sem_alloc : memref<!tpu.dma_semaphore, #tpu.memory_space<semaphore_mem>>
      %dma_start3A = tpu.memref_slice %arg2[%mul3A_371] : memref<1310720xf32, #tpu.memory_space<hbm>> -> memref<20480xf32, #tpu.memory_space<hbm>>
      %dma_start3A_740 = tpu.memref_slice %arg2[%mul3A_371] : memref<1310720xf32, #tpu.memory_space<hbm>> -> memref<20480xf32, #tpu.memory_space<hbm>>
      tpu.enqueue_dma source(%dma_start3A_740 : memref<20480xf32, #tpu.memory_space<hbm>>) target(%arg5 : memref<20480xf32, #tpu.memory_space<vmem>>) target_semaphore(%run_scoped3A : memref<!tpu.dma_semaphore, #tpu.memory_space<semaphore_mem>>)
      %dma_wait3A = tpu.memref_slice %arg2[%mul3A_371] : memref<1310720xf32, #tpu.memory_space<hbm>> -> memref<20480xf32, #tpu.memory_space<hbm>>
      %dma_wait3A_741 = tpu.memref_slice %arg2[%mul3A_371] : memref<1310720xf32, #tpu.memory_space<hbm>> -> memref<20480xf32, #tpu.memory_space<hbm>>
      tpu.wait_dma2 semaphore(%run_scoped3A : memref<!tpu.dma_semaphore, #tpu.memory_space<semaphore_mem>>) src(%dma_wait3A_741 : memref<20480xf32, #tpu.memory_space<hbm>>) dst(%arg5 : memref<20480xf32, #tpu.memory_space<vmem>>)
      tpu.yield
    }) : () -> ()
    %iota3A_372 = tpu.iota {dimensions = array<i32: 0>} : vector<16xi32>
    %add3A_373 = arith.constant 0 : i32
    %add3A_374 = vector.broadcast %add3A_373 : i32 to vector<16xi32>
    %add3A_375 = arith.addi %iota3A_372, %add3A_374 : vector<16xi32>
    %mul3A_376 = arith.constant 5 : i32
    %mul3A_377 = vector.broadcast %mul3A_376 : i32 to vector<16xi32>
    %mul3A_378 = arith.muli %add3A_375, %mul3A_377 : vector<16xi32>
    %add3A_379 = arith.constant 300 : i32
    %add3A_380 = vector.broadcast %add3A_379 : i32 to vector<16xi32>
    %add3A_381 = arith.addi %mul3A_378, %add3A_380 : vector<16xi32>
    %add3A_382 = arith.constant 1 : i32
    %add3A_383 = vector.broadcast %add3A_382 : i32 to vector<16xi32>
    %add3A_384 = arith.addi %add3A_381, %add3A_383 : vector<16xi32>
    %gather3A_385 = tpu.vector_load_idx %arg6[%add3A_384] : memref<624xf32, #tpu.memory_space<vmem>>[vector<16xi32>], vector<16xf32>,
    %add3A_386 = arith.constant 2 : i32
    %add3A_387 = vector.broadcast %add3A_386 : i32 to vector<16xi32>
    %add3A_388 = arith.addi %add3A_381, %add3A_387 : vector<16xi32>
    %gather3A_389 = tpu.vector_load_idx %arg6[%add3A_388] : memref<624xf32, #tpu.memory_space<vmem>>[vector<16xi32>], vector<16xf32>,
    %add3A_390 = arith.constant 3 : i32
    %add3A_391 = vector.broadcast %add3A_390 : i32 to vector<16xi32>
    %add3A_392 = arith.addi %add3A_381, %add3A_391 : vector<16xi32>
    %gather3A_393 = tpu.vector_load_idx %arg6[%add3A_392] : memref<624xf32, #tpu.memory_space<vmem>>[vector<16xi32>], vector<16xf32>,
    %add3A_394 = arith.constant 4 : i32
    %add3A_395 = vector.broadcast %add3A_394 : i32 to vector<16xi32>
    %add3A_396 = arith.addi %add3A_381, %add3A_395 : vector<16xi32>
    %gather3A_397 = tpu.vector_load_idx %arg6[%add3A_396] : memref<624xf32, #tpu.memory_space<vmem>>[vector<16xi32>], vector<16xf32>,
    %mul3A_398 = arith.constant 6.400000e+01 : f32
    %mul3A_399 = vector.broadcast %mul3A_398 : f32 to vector<16xf32>
    %mul3A_400 = arith.mulf %gather3A_385, %mul3A_399 : vector<16xf32>
    %convert_element_type3A_401 = arith.fptosi %mul3A_400 : vector<16xf32> to vector<16xi32>
    %jit3A_402 = arith.constant 0 : i32
    %jit3A_403 = arith.constant 63 : i32
    %max3A_404 = vector.broadcast %jit3A_402 : i32 to vector<16xi32>
    %max3A_405 = arith.maxsi %max3A_404, %convert_element_type3A_401 : vector<16xi32>
    %min3A_406 = vector.broadcast %jit3A_403 : i32 to vector<16xi32>
    %min3A_407 = arith.minsi %min3A_406, %max3A_405 : vector<16xi32>
    %mul3A_408 = arith.constant 6.400000e+01 : f32
    %mul3A_409 = vector.broadcast %mul3A_408 : f32 to vector<16xf32>
    %mul3A_410 = arith.mulf %gather3A_389, %mul3A_409 : vector<16xf32>
    %convert_element_type3A_411 = arith.fptosi %mul3A_410 : vector<16xf32> to vector<16xi32>
    %jit3A_412 = arith.constant 0 : i32
    %jit3A_413 = arith.constant 63 : i32
    %max3A_414 = vector.broadcast %jit3A_412 : i32 to vector<16xi32>
    %max3A_415 = arith.maxsi %max3A_414, %convert_element_type3A_411 : vector<16xi32>
    %min3A_416 = vector.broadcast %jit3A_413 : i32 to vector<16xi32>
    %min3A_417 = arith.minsi %min3A_416, %max3A_415 : vector<16xi32>
    %mul3A_418 = arith.constant 64 : i32
    %mul3A_419 = vector.broadcast %mul3A_418 : i32 to vector<16xi32>
    %mul3A_420 = arith.muli %min3A_417, %mul3A_419 : vector<16xi32>
    %add3A_421 = arith.addi %mul3A_420, %min3A_407 : vector<16xi32>
    %mul3A_422 = arith.constant 5 : i32
    %mul3A_423 = vector.broadcast %mul3A_422 : i32 to vector<16xi32>
    %mul3A_424 = arith.muli %add3A_421, %mul3A_423 : vector<16xi32>
    %add3A_425 = arith.constant 0 : i32
    %add3A_426 = vector.broadcast %add3A_425 : i32 to vector<16xi32>
    %add3A_427 = arith.addi %mul3A_424, %add3A_426 : vector<16xi32>
    %gather3A_428 = tpu.vector_load_idx %arg5[%add3A_427] : memref<20480xf32, #tpu.memory_space<vmem>>[vector<16xi32>], vector<16xf32>,
    %swap3A_429 = arith.constant 576 : index
    %swap3A_430 = tpu.vector_load %arg7[%swap3A_429] {strides = array<i32>} : memref<1152xf32, #tpu.memory_space<vmem>>, vector<16xf32>,
    tpu.vector_store %arg7[%swap3A_429], %gather3A_428 {strides = array<i32>} : memref<1152xf32, #tpu.memory_space<vmem>>, vector<16xf32>,
    %add3A_431 = arith.constant 1 : i32
    %add3A_432 = vector.broadcast %add3A_431 : i32 to vector<16xi32>
    %add3A_433 = arith.addi %mul3A_424, %add3A_432 : vector<16xi32>
    %gather3A_434 = tpu.vector_load_idx %arg5[%add3A_433] : memref<20480xf32, #tpu.memory_space<vmem>>[vector<16xi32>], vector<16xf32>,
    %swap3A_435 = arith.constant 640 : index
    %swap3A_436 = tpu.vector_load %arg7[%swap3A_435] {strides = array<i32>} : memref<1152xf32, #tpu.memory_space<vmem>>, vector<16xf32>,
    tpu.vector_store %arg7[%swap3A_435], %gather3A_434 {strides = array<i32>} : memref<1152xf32, #tpu.memory_space<vmem>>, vector<16xf32>,
    %add3A_437 = arith.constant 2 : i32
    %add3A_438 = vector.broadcast %add3A_437 : i32 to vector<16xi32>
    %add3A_439 = arith.addi %mul3A_424, %add3A_438 : vector<16xi32>
    %gather3A_440 = tpu.vector_load_idx %arg5[%add3A_439] : memref<20480xf32, #tpu.memory_space<vmem>>[vector<16xi32>], vector<16xf32>,
    %swap3A_441 = arith.constant 704 : index
    %swap3A_442 = tpu.vector_load %arg7[%swap3A_441] {strides = array<i32>} : memref<1152xf32, #tpu.memory_space<vmem>>, vector<16xf32>,
    tpu.vector_store %arg7[%swap3A_441], %gather3A_440 {strides = array<i32>} : memref<1152xf32, #tpu.memory_space<vmem>>, vector<16xf32>,
    %add3A_443 = arith.constant 3 : i32
    %add3A_444 = vector.broadcast %add3A_443 : i32 to vector<16xi32>
    %add3A_445 = arith.addi %mul3A_424, %add3A_444 : vector<16xi32>
    %gather3A_446 = tpu.vector_load_idx %arg5[%add3A_445] : memref<20480xf32, #tpu.memory_space<vmem>>[vector<16xi32>], vector<16xf32>,
    %swap3A_447 = arith.constant 768 : index
    %swap3A_448 = tpu.vector_load %arg7[%swap3A_447] {strides = array<i32>} : memref<1152xf32, #tpu.memory_space<vmem>>, vector<16xf32>,
    tpu.vector_store %arg7[%swap3A_447], %gather3A_446 {strides = array<i32>} : memref<1152xf32, #tpu.memory_space<vmem>>, vector<16xf32>,
    %add3A_449 = arith.constant 4 : i32
    %add3A_450 = vector.broadcast %add3A_449 : i32 to vector<16xi32>
    %add3A_451 = arith.addi %mul3A_424, %add3A_450 : vector<16xi32>
    %gather3A_452 = tpu.vector_load_idx %arg5[%add3A_451] : memref<20480xf32, #tpu.memory_space<vmem>>[vector<16xi32>], vector<16xf32>,
    %swap3A_453 = arith.constant 832 : index
    %swap3A_454 = tpu.vector_load %arg7[%swap3A_453] {strides = array<i32>} : memref<1152xf32, #tpu.memory_space<vmem>>, vector<16xf32>,
    tpu.vector_store %arg7[%swap3A_453], %gather3A_452 {strides = array<i32>} : memref<1152xf32, #tpu.memory_space<vmem>>, vector<16xf32>,
    %swap3A_455 = arith.constant 896 : index
    %swap3A_456 = tpu.vector_load %arg7[%swap3A_455] {strides = array<i32>} : memref<1152xf32, #tpu.memory_space<vmem>>, vector<16xf32>,
    tpu.vector_store %arg7[%swap3A_455], %gather3A_385 {strides = array<i32>} : memref<1152xf32, #tpu.memory_space<vmem>>, vector<16xf32>,
    %swap3A_457 = arith.constant 960 : index
    %swap3A_458 = tpu.vector_load %arg7[%swap3A_457] {strides = array<i32>} : memref<1152xf32, #tpu.memory_space<vmem>>, vector<16xf32>,
    tpu.vector_store %arg7[%swap3A_457], %gather3A_389 {strides = array<i32>} : memref<1152xf32, #tpu.memory_space<vmem>>, vector<16xf32>,
    %swap3A_459 = arith.constant 1024 : index
    %swap3A_460 = tpu.vector_load %arg7[%swap3A_459] {strides = array<i32>} : memref<1152xf32, #tpu.memory_space<vmem>>, vector<16xf32>,
    tpu.vector_store %arg7[%swap3A_459], %gather3A_393 {strides = array<i32>} : memref<1152xf32, #tpu.memory_space<vmem>>, vector<16xf32>,
    %swap3A_461 = arith.constant 1088 : index
    %swap3A_462 = tpu.vector_load %arg7[%swap3A_461] {strides = array<i32>} : memref<1152xf32, #tpu.memory_space<vmem>>, vector<16xf32>,
    tpu.vector_store %arg7[%swap3A_461], %gather3A_397 {strides = array<i32>} : memref<1152xf32, #tpu.memory_space<vmem>>, vector<16xf32>,
    %iota3A_463 = tpu.iota {dimensions = array<i32: 0>} : vector<16xi32>
    %add3A_464 = arith.constant 16 : i32
    %add3A_465 = vector.broadcast %add3A_464 : i32 to vector<16xi32>
    %add3A_466 = arith.addi %iota3A_463, %add3A_465 : vector<16xi32>
    %mul3A_467 = arith.constant 5 : i32
    %mul3A_468 = vector.broadcast %mul3A_467 : i32 to vector<16xi32>
    %mul3A_469 = arith.muli %add3A_466, %mul3A_468 : vector<16xi32>
    %add3A_470 = arith.constant 300 : i32
    %add3A_471 = vector.broadcast %add3A_470 : i32 to vector<16xi32>
    %add3A_472 = arith.addi %mul3A_469, %add3A_471 : vector<16xi32>
    %add3A_473 = arith.constant 1 : i32
    %add3A_474 = vector.broadcast %add3A_473 : i32 to vector<16xi32>
    %add3A_475 = arith.addi %add3A_472, %add3A_474 : vector<16xi32>
    %gather3A_476 = tpu.vector_load_idx %arg6[%add3A_475] : memref<624xf32, #tpu.memory_space<vmem>>[vector<16xi32>], vector<16xf32>,
    %add3A_477 = arith.constant 2 : i32
    %add3A_478 = vector.broadcast %add3A_477 : i32 to vector<16xi32>
    %add3A_479 = arith.addi %add3A_472, %add3A_478 : vector<16xi32>
    %gather3A_480 = tpu.vector_load_idx %arg6[%add3A_479] : memref<624xf32, #tpu.memory_space<vmem>>[vector<16xi32>], vector<16xf32>,
    %add3A_481 = arith.constant 3 : i32
    %add3A_482 = vector.broadcast %add3A_481 : i32 to vector<16xi32>
    %add3A_483 = arith.addi %add3A_472, %add3A_482 : vector<16xi32>
    %gather3A_484 = tpu.vector_load_idx %arg6[%add3A_483] : memref<624xf32, #tpu.memory_space<vmem>>[vector<16xi32>], vector<16xf32>,
    %add3A_485 = arith.constant 4 : i32
    %add3A_486 = vector.broadcast %add3A_485 : i32 to vector<16xi32>
    %add3A_487 = arith.addi %add3A_472, %add3A_486 : vector<16xi32>
    %gather3A_488 = tpu.vector_load_idx %arg6[%add3A_487] : memref<624xf32, #tpu.memory_space<vmem>>[vector<16xi32>], vector<16xf32>,
    %mul3A_489 = arith.constant 6.400000e+01 : f32
    %mul3A_490 = vector.broadcast %mul3A_489 : f32 to vector<16xf32>
    %mul3A_491 = arith.mulf %gather3A_476, %mul3A_490 : vector<16xf32>
    %convert_element_type3A_492 = arith.fptosi %mul3A_491 : vector<16xf32> to vector<16xi32>
    %jit3A_493 = arith.constant 0 : i32
    %jit3A_494 = arith.constant 63 : i32
    %max3A_495 = vector.broadcast %jit3A_493 : i32 to vector<16xi32>
    %max3A_496 = arith.maxsi %max3A_495, %convert_element_type3A_492 : vector<16xi32>
    %min3A_497 = vector.broadcast %jit3A_494 : i32 to vector<16xi32>
    %min3A_498 = arith.minsi %min3A_497, %max3A_496 : vector<16xi32>
    %mul3A_499 = arith.constant 6.400000e+01 : f32
    %mul3A_500 = vector.broadcast %mul3A_499 : f32 to vector<16xf32>
    %mul3A_501 = arith.mulf %gather3A_480, %mul3A_500 : vector<16xf32>
    %convert_element_type3A_502 = arith.fptosi %mul3A_501 : vector<16xf32> to vector<16xi32>
    %jit3A_503 = arith.constant 0 : i32
    %jit3A_504 = arith.constant 63 : i32
    %max3A_505 = vector.broadcast %jit3A_503 : i32 to vector<16xi32>
    %max3A_506 = arith.maxsi %max3A_505, %convert_element_type3A_502 : vector<16xi32>
    %min3A_507 = vector.broadcast %jit3A_504 : i32 to vector<16xi32>
    %min3A_508 = arith.minsi %min3A_507, %max3A_506 : vector<16xi32>
    %mul3A_509 = arith.constant 64 : i32
    %mul3A_510 = vector.broadcast %mul3A_509 : i32 to vector<16xi32>
    %mul3A_511 = arith.muli %min3A_508, %mul3A_510 : vector<16xi32>
    %add3A_512 = arith.addi %mul3A_511, %min3A_498 : vector<16xi32>
    %mul3A_513 = arith.constant 5 : i32
    %mul3A_514 = vector.broadcast %mul3A_513 : i32 to vector<16xi32>
    %mul3A_515 = arith.muli %add3A_512, %mul3A_514 : vector<16xi32>
    %add3A_516 = arith.constant 0 : i32
    %add3A_517 = vector.broadcast %add3A_516 : i32 to vector<16xi32>
    %add3A_518 = arith.addi %mul3A_515, %add3A_517 : vector<16xi32>
    %gather3A_519 = tpu.vector_load_idx %arg5[%add3A_518] : memref<20480xf32, #tpu.memory_space<vmem>>[vector<16xi32>], vector<16xf32>,
    %swap3A_520 = arith.constant 592 : index
    %swap3A_521 = tpu.vector_load %arg7[%swap3A_520] {strides = array<i32>} : memref<1152xf32, #tpu.memory_space<vmem>>, vector<16xf32>,
    tpu.vector_store %arg7[%swap3A_520], %gather3A_519 {strides = array<i32>} : memref<1152xf32, #tpu.memory_space<vmem>>, vector<16xf32>,
    %add3A_522 = arith.constant 1 : i32
    %add3A_523 = vector.broadcast %add3A_522 : i32 to vector<16xi32>
    %add3A_524 = arith.addi %mul3A_515, %add3A_523 : vector<16xi32>
    %gather3A_525 = tpu.vector_load_idx %arg5[%add3A_524] : memref<20480xf32, #tpu.memory_space<vmem>>[vector<16xi32>], vector<16xf32>,
    %swap3A_526 = arith.constant 656 : index
    %swap3A_527 = tpu.vector_load %arg7[%swap3A_526] {strides = array<i32>} : memref<1152xf32, #tpu.memory_space<vmem>>, vector<16xf32>,
    tpu.vector_store %arg7[%swap3A_526], %gather3A_525 {strides = array<i32>} : memref<1152xf32, #tpu.memory_space<vmem>>, vector<16xf32>,
    %add3A_528 = arith.constant 2 : i32
    %add3A_529 = vector.broadcast %add3A_528 : i32 to vector<16xi32>
    %add3A_530 = arith.addi %mul3A_515, %add3A_529 : vector<16xi32>
    %gather3A_531 = tpu.vector_load_idx %arg5[%add3A_530] : memref<20480xf32, #tpu.memory_space<vmem>>[vector<16xi32>], vector<16xf32>,
    %swap3A_532 = arith.constant 720 : index
    %swap3A_533 = tpu.vector_load %arg7[%swap3A_532] {strides = array<i32>} : memref<1152xf32, #tpu.memory_space<vmem>>, vector<16xf32>,
    tpu.vector_store %arg7[%swap3A_532], %gather3A_531 {strides = array<i32>} : memref<1152xf32, #tpu.memory_space<vmem>>, vector<16xf32>,
    %add3A_534 = arith.constant 3 : i32
    %add3A_535 = vector.broadcast %add3A_534 : i32 to vector<16xi32>
    %add3A_536 = arith.addi %mul3A_515, %add3A_535 : vector<16xi32>
    %gather3A_537 = tpu.vector_load_idx %arg5[%add3A_536] : memref<20480xf32, #tpu.memory_space<vmem>>[vector<16xi32>], vector<16xf32>,
    %swap3A_538 = arith.constant 784 : index
    %swap3A_539 = tpu.vector_load %arg7[%swap3A_538] {strides = array<i32>} : memref<1152xf32, #tpu.memory_space<vmem>>, vector<16xf32>,
    tpu.vector_store %arg7[%swap3A_538], %gather3A_537 {strides = array<i32>} : memref<1152xf32, #tpu.memory_space<vmem>>, vector<16xf32>,
    %add3A_540 = arith.constant 4 : i32
    %add3A_541 = vector.broadcast %add3A_540 : i32 to vector<16xi32>
    %add3A_542 = arith.addi %mul3A_515, %add3A_541 : vector<16xi32>
    %gather3A_543 = tpu.vector_load_idx %arg5[%add3A_542] : memref<20480xf32, #tpu.memory_space<vmem>>[vector<16xi32>], vector<16xf32>,
    %swap3A_544 = arith.constant 848 : index
    %swap3A_545 = tpu.vector_load %arg7[%swap3A_544] {strides = array<i32>} : memref<1152xf32, #tpu.memory_space<vmem>>, vector<16xf32>,
    tpu.vector_store %arg7[%swap3A_544], %gather3A_543 {strides = array<i32>} : memref<1152xf32, #tpu.memory_space<vmem>>, vector<16xf32>,
    %swap3A_546 = arith.constant 912 : index
    %swap3A_547 = tpu.vector_load %arg7[%swap3A_546] {strides = array<i32>} : memref<1152xf32, #tpu.memory_space<vmem>>, vector<16xf32>,
    tpu.vector_store %arg7[%swap3A_546], %gather3A_476 {strides = array<i32>} : memref<1152xf32, #tpu.memory_space<vmem>>, vector<16xf32>,
    %swap3A_548 = arith.constant 976 : index
    %swap3A_549 = tpu.vector_load %arg7[%swap3A_548] {strides = array<i32>} : memref<1152xf32, #tpu.memory_space<vmem>>, vector<16xf32>,
    tpu.vector_store %arg7[%swap3A_548], %gather3A_480 {strides = array<i32>} : memref<1152xf32, #tpu.memory_space<vmem>>, vector<16xf32>,
    %swap3A_550 = arith.constant 1040 : index
    %swap3A_551 = tpu.vector_load %arg7[%swap3A_550] {strides = array<i32>} : memref<1152xf32, #tpu.memory_space<vmem>>, vector<16xf32>,
    tpu.vector_store %arg7[%swap3A_550], %gather3A_484 {strides = array<i32>} : memref<1152xf32, #tpu.memory_space<vmem>>, vector<16xf32>,
    %swap3A_552 = arith.constant 1104 : index
    %swap3A_553 = tpu.vector_load %arg7[%swap3A_552] {strides = array<i32>} : memref<1152xf32, #tpu.memory_space<vmem>>, vector<16xf32>,
    tpu.vector_store %arg7[%swap3A_552], %gather3A_488 {strides = array<i32>} : memref<1152xf32, #tpu.memory_space<vmem>>, vector<16xf32>,
    %iota3A_554 = tpu.iota {dimensions = array<i32: 0>} : vector<16xi32>
    %add3A_555 = arith.constant 32 : i32
    %add3A_556 = vector.broadcast %add3A_555 : i32 to vector<16xi32>
    %add3A_557 = arith.addi %iota3A_554, %add3A_556 : vector<16xi32>
    %mul3A_558 = arith.constant 5 : i32
    %mul3A_559 = vector.broadcast %mul3A_558 : i32 to vector<16xi32>
    %mul3A_560 = arith.muli %add3A_557, %mul3A_559 : vector<16xi32>
    %add3A_561 = arith.constant 300 : i32
    %add3A_562 = vector.broadcast %add3A_561 : i32 to vector<16xi32>
    %add3A_563 = arith.addi %mul3A_560, %add3A_562 : vector<16xi32>
    %add3A_564 = arith.constant 1 : i32
    %add3A_565 = vector.broadcast %add3A_564 : i32 to vector<16xi32>
    %add3A_566 = arith.addi %add3A_563, %add3A_565 : vector<16xi32>
    %gather3A_567 = tpu.vector_load_idx %arg6[%add3A_566] : memref<624xf32, #tpu.memory_space<vmem>>[vector<16xi32>], vector<16xf32>,
    %add3A_568 = arith.constant 2 : i32
    %add3A_569 = vector.broadcast %add3A_568 : i32 to vector<16xi32>
    %add3A_570 = arith.addi %add3A_563, %add3A_569 : vector<16xi32>
    %gather3A_571 = tpu.vector_load_idx %arg6[%add3A_570] : memref<624xf32, #tpu.memory_space<vmem>>[vector<16xi32>], vector<16xf32>,
    %add3A_572 = arith.constant 3 : i32
    %add3A_573 = vector.broadcast %add3A_572 : i32 to vector<16xi32>
    %add3A_574 = arith.addi %add3A_563, %add3A_573 : vector<16xi32>
    %gather3A_575 = tpu.vector_load_idx %arg6[%add3A_574] : memref<624xf32, #tpu.memory_space<vmem>>[vector<16xi32>], vector<16xf32>,
    %add3A_576 = arith.constant 4 : i32
    %add3A_577 = vector.broadcast %add3A_576 : i32 to vector<16xi32>
    %add3A_578 = arith.addi %add3A_563, %add3A_577 : vector<16xi32>
    %gather3A_579 = tpu.vector_load_idx %arg6[%add3A_578] : memref<624xf32, #tpu.memory_space<vmem>>[vector<16xi32>], vector<16xf32>,
    %mul3A_580 = arith.constant 6.400000e+01 : f32
    %mul3A_581 = vector.broadcast %mul3A_580 : f32 to vector<16xf32>
    %mul3A_582 = arith.mulf %gather3A_567, %mul3A_581 : vector<16xf32>
    %convert_element_type3A_583 = arith.fptosi %mul3A_582 : vector<16xf32> to vector<16xi32>
    %jit3A_584 = arith.constant 0 : i32
    %jit3A_585 = arith.constant 63 : i32
    %max3A_586 = vector.broadcast %jit3A_584 : i32 to vector<16xi32>
    %max3A_587 = arith.maxsi %max3A_586, %convert_element_type3A_583 : vector<16xi32>
    %min3A_588 = vector.broadcast %jit3A_585 : i32 to vector<16xi32>
    %min3A_589 = arith.minsi %min3A_588, %max3A_587 : vector<16xi32>
    %mul3A_590 = arith.constant 6.400000e+01 : f32
    %mul3A_591 = vector.broadcast %mul3A_590 : f32 to vector<16xf32>
    %mul3A_592 = arith.mulf %gather3A_571, %mul3A_591 : vector<16xf32>
    %convert_element_type3A_593 = arith.fptosi %mul3A_592 : vector<16xf32> to vector<16xi32>
    %jit3A_594 = arith.constant 0 : i32
    %jit3A_595 = arith.constant 63 : i32
    %max3A_596 = vector.broadcast %jit3A_594 : i32 to vector<16xi32>
    %max3A_597 = arith.maxsi %max3A_596, %convert_element_type3A_593 : vector<16xi32>
    %min3A_598 = vector.broadcast %jit3A_595 : i32 to vector<16xi32>
    %min3A_599 = arith.minsi %min3A_598, %max3A_597 : vector<16xi32>
    %mul3A_600 = arith.constant 64 : i32
    %mul3A_601 = vector.broadcast %mul3A_600 : i32 to vector<16xi32>
    %mul3A_602 = arith.muli %min3A_599, %mul3A_601 : vector<16xi32>
    %add3A_603 = arith.addi %mul3A_602, %min3A_589 : vector<16xi32>
    %mul3A_604 = arith.constant 5 : i32
    %mul3A_605 = vector.broadcast %mul3A_604 : i32 to vector<16xi32>
    %mul3A_606 = arith.muli %add3A_603, %mul3A_605 : vector<16xi32>
    %add3A_607 = arith.constant 0 : i32
    %add3A_608 = vector.broadcast %add3A_607 : i32 to vector<16xi32>
    %add3A_609 = arith.addi %mul3A_606, %add3A_608 : vector<16xi32>
    %gather3A_610 = tpu.vector_load_idx %arg5[%add3A_609] : memref<20480xf32, #tpu.memory_space<vmem>>[vector<16xi32>], vector<16xf32>,
    %swap3A_611 = arith.constant 608 : index
    %swap3A_612 = tpu.vector_load %arg7[%swap3A_611] {strides = array<i32>} : memref<1152xf32, #tpu.memory_space<vmem>>, vector<16xf32>,
    tpu.vector_store %arg7[%swap3A_611], %gather3A_610 {strides = array<i32>} : memref<1152xf32, #tpu.memory_space<vmem>>, vector<16xf32>,
    %add3A_613 = arith.constant 1 : i32
    %add3A_614 = vector.broadcast %add3A_613 : i32 to vector<16xi32>
    %add3A_615 = arith.addi %mul3A_606, %add3A_614 : vector<16xi32>
    %gather3A_616 = tpu.vector_load_idx %arg5[%add3A_615] : memref<20480xf32, #tpu.memory_space<vmem>>[vector<16xi32>], vector<16xf32>,
    %swap3A_617 = arith.constant 672 : index
    %swap3A_618 = tpu.vector_load %arg7[%swap3A_617] {strides = array<i32>} : memref<1152xf32, #tpu.memory_space<vmem>>, vector<16xf32>,
    tpu.vector_store %arg7[%swap3A_617], %gather3A_616 {strides = array<i32>} : memref<1152xf32, #tpu.memory_space<vmem>>, vector<16xf32>,
    %add3A_619 = arith.constant 2 : i32
    %add3A_620 = vector.broadcast %add3A_619 : i32 to vector<16xi32>
    %add3A_621 = arith.addi %mul3A_606, %add3A_620 : vector<16xi32>
    %gather3A_622 = tpu.vector_load_idx %arg5[%add3A_621] : memref<20480xf32, #tpu.memory_space<vmem>>[vector<16xi32>], vector<16xf32>,
    %swap3A_623 = arith.constant 736 : index
    %swap3A_624 = tpu.vector_load %arg7[%swap3A_623] {strides = array<i32>} : memref<1152xf32, #tpu.memory_space<vmem>>, vector<16xf32>,
    tpu.vector_store %arg7[%swap3A_623], %gather3A_622 {strides = array<i32>} : memref<1152xf32, #tpu.memory_space<vmem>>, vector<16xf32>,
    %add3A_625 = arith.constant 3 : i32
    %add3A_626 = vector.broadcast %add3A_625 : i32 to vector<16xi32>
    %add3A_627 = arith.addi %mul3A_606, %add3A_626 : vector<16xi32>
    %gather3A_628 = tpu.vector_load_idx %arg5[%add3A_627] : memref<20480xf32, #tpu.memory_space<vmem>>[vector<16xi32>], vector<16xf32>,
    %swap3A_629 = arith.constant 800 : index
    %swap3A_630 = tpu.vector_load %arg7[%swap3A_629] {strides = array<i32>} : memref<1152xf32, #tpu.memory_space<vmem>>, vector<16xf32>,
    tpu.vector_store %arg7[%swap3A_629], %gather3A_628 {strides = array<i32>} : memref<1152xf32, #tpu.memory_space<vmem>>, vector<16xf32>,
    %add3A_631 = arith.constant 4 : i32
    %add3A_632 = vector.broadcast %add3A_631 : i32 to vector<16xi32>
    %add3A_633 = arith.addi %mul3A_606, %add3A_632 : vector<16xi32>
    %gather3A_634 = tpu.vector_load_idx %arg5[%add3A_633] : memref<20480xf32, #tpu.memory_space<vmem>>[vector<16xi32>], vector<16xf32>,
    %swap3A_635 = arith.constant 864 : index
    %swap3A_636 = tpu.vector_load %arg7[%swap3A_635] {strides = array<i32>} : memref<1152xf32, #tpu.memory_space<vmem>>, vector<16xf32>,
    tpu.vector_store %arg7[%swap3A_635], %gather3A_634 {strides = array<i32>} : memref<1152xf32, #tpu.memory_space<vmem>>, vector<16xf32>,
    %swap3A_637 = arith.constant 928 : index
    %swap3A_638 = tpu.vector_load %arg7[%swap3A_637] {strides = array<i32>} : memref<1152xf32, #tpu.memory_space<vmem>>, vector<16xf32>,
    tpu.vector_store %arg7[%swap3A_637], %gather3A_567 {strides = array<i32>} : memref<1152xf32, #tpu.memory_space<vmem>>, vector<16xf32>,
    %swap3A_639 = arith.constant 992 : index
    %swap3A_640 = tpu.vector_load %arg7[%swap3A_639] {strides = array<i32>} : memref<1152xf32, #tpu.memory_space<vmem>>, vector<16xf32>,
    tpu.vector_store %arg7[%swap3A_639], %gather3A_571 {strides = array<i32>} : memref<1152xf32, #tpu.memory_space<vmem>>, vector<16xf32>,
    %swap3A_641 = arith.constant 1056 : index
    %swap3A_642 = tpu.vector_load %arg7[%swap3A_641] {strides = array<i32>} : memref<1152xf32, #tpu.memory_space<vmem>>, vector<16xf32>,
    tpu.vector_store %arg7[%swap3A_641], %gather3A_575 {strides = array<i32>} : memref<1152xf32, #tpu.memory_space<vmem>>, vector<16xf32>,
    %swap3A_643 = arith.constant 1120 : index
    %swap3A_644 = tpu.vector_load %arg7[%swap3A_643] {strides = array<i32>} : memref<1152xf32, #tpu.memory_space<vmem>>, vector<16xf32>,
    tpu.vector_store %arg7[%swap3A_643], %gather3A_579 {strides = array<i32>} : memref<1152xf32, #tpu.memory_space<vmem>>, vector<16xf32>,
    %iota3A_645 = tpu.iota {dimensions = array<i32: 0>} : vector<16xi32>
    %add3A_646 = arith.constant 48 : i32
    %add3A_647 = vector.broadcast %add3A_646 : i32 to vector<16xi32>
    %add3A_648 = arith.addi %iota3A_645, %add3A_647 : vector<16xi32>
    %mul3A_649 = arith.constant 5 : i32
    %mul3A_650 = vector.broadcast %mul3A_649 : i32 to vector<16xi32>
    %mul3A_651 = arith.muli %add3A_648, %mul3A_650 : vector<16xi32>
    %add3A_652 = arith.constant 300 : i32
    %add3A_653 = vector.broadcast %add3A_652 : i32 to vector<16xi32>
    %add3A_654 = arith.addi %mul3A_651, %add3A_653 : vector<16xi32>
    %add3A_655 = arith.constant 1 : i32
    %add3A_656 = vector.broadcast %add3A_655 : i32 to vector<16xi32>
    %add3A_657 = arith.addi %add3A_654, %add3A_656 : vector<16xi32>
    %gather3A_658 = tpu.vector_load_idx %arg6[%add3A_657] : memref<624xf32, #tpu.memory_space<vmem>>[vector<16xi32>], vector<16xf32>,
    %add3A_659 = arith.constant 2 : i32
    %add3A_660 = vector.broadcast %add3A_659 : i32 to vector<16xi32>
    %add3A_661 = arith.addi %add3A_654, %add3A_660 : vector<16xi32>
    %gather3A_662 = tpu.vector_load_idx %arg6[%add3A_661] : memref<624xf32, #tpu.memory_space<vmem>>[vector<16xi32>], vector<16xf32>,
    %add3A_663 = arith.constant 3 : i32
    %add3A_664 = vector.broadcast %add3A_663 : i32 to vector<16xi32>
    %add3A_665 = arith.addi %add3A_654, %add3A_664 : vector<16xi32>
    %gather3A_666 = tpu.vector_load_idx %arg6[%add3A_665] : memref<624xf32, #tpu.memory_space<vmem>>[vector<16xi32>], vector<16xf32>,
    %add3A_667 = arith.constant 4 : i32
    %add3A_668 = vector.broadcast %add3A_667 : i32 to vector<16xi32>
    %add3A_669 = arith.addi %add3A_654, %add3A_668 : vector<16xi32>
    %gather3A_670 = tpu.vector_load_idx %arg6[%add3A_669] : memref<624xf32, #tpu.memory_space<vmem>>[vector<16xi32>], vector<16xf32>,
    %mul3A_671 = arith.constant 6.400000e+01 : f32
    %mul3A_672 = vector.broadcast %mul3A_671 : f32 to vector<16xf32>
    %mul3A_673 = arith.mulf %gather3A_658, %mul3A_672 : vector<16xf32>
    %convert_element_type3A_674 = arith.fptosi %mul3A_673 : vector<16xf32> to vector<16xi32>
    %jit3A_675 = arith.constant 0 : i32
    %jit3A_676 = arith.constant 63 : i32
    %max3A_677 = vector.broadcast %jit3A_675 : i32 to vector<16xi32>
    %max3A_678 = arith.maxsi %max3A_677, %convert_element_type3A_674 : vector<16xi32>
    %min3A_679 = vector.broadcast %jit3A_676 : i32 to vector<16xi32>
    %min3A_680 = arith.minsi %min3A_679, %max3A_678 : vector<16xi32>
    %mul3A_681 = arith.constant 6.400000e+01 : f32
    %mul3A_682 = vector.broadcast %mul3A_681 : f32 to vector<16xf32>
    %mul3A_683 = arith.mulf %gather3A_662, %mul3A_682 : vector<16xf32>
    %convert_element_type3A_684 = arith.fptosi %mul3A_683 : vector<16xf32> to vector<16xi32>
    %jit3A_685 = arith.constant 0 : i32
    %jit3A_686 = arith.constant 63 : i32
    %max3A_687 = vector.broadcast %jit3A_685 : i32 to vector<16xi32>
    %max3A_688 = arith.maxsi %max3A_687, %convert_element_type3A_684 : vector<16xi32>
    %min3A_689 = vector.broadcast %jit3A_686 : i32 to vector<16xi32>
    %min3A_690 = arith.minsi %min3A_689, %max3A_688 : vector<16xi32>
    %mul3A_691 = arith.constant 64 : i32
    %mul3A_692 = vector.broadcast %mul3A_691 : i32 to vector<16xi32>
    %mul3A_693 = arith.muli %min3A_690, %mul3A_692 : vector<16xi32>
    %add3A_694 = arith.addi %mul3A_693, %min3A_680 : vector<16xi32>
    %mul3A_695 = arith.constant 5 : i32
    %mul3A_696 = vector.broadcast %mul3A_695 : i32 to vector<16xi32>
    %mul3A_697 = arith.muli %add3A_694, %mul3A_696 : vector<16xi32>
    %add3A_698 = arith.constant 0 : i32
    %add3A_699 = vector.broadcast %add3A_698 : i32 to vector<16xi32>
    %add3A_700 = arith.addi %mul3A_697, %add3A_699 : vector<16xi32>
    %gather3A_701 = tpu.vector_load_idx %arg5[%add3A_700] : memref<20480xf32, #tpu.memory_space<vmem>>[vector<16xi32>], vector<16xf32>,
    %swap3A_702 = arith.constant 624 : index
    %swap3A_703 = tpu.vector_load %arg7[%swap3A_702] {strides = array<i32>} : memref<1152xf32, #tpu.memory_space<vmem>>, vector<16xf32>,
    tpu.vector_store %arg7[%swap3A_702], %gather3A_701 {strides = array<i32>} : memref<1152xf32, #tpu.memory_space<vmem>>, vector<16xf32>,
    %add3A_704 = arith.constant 1 : i32
    %add3A_705 = vector.broadcast %add3A_704 : i32 to vector<16xi32>
    %add3A_706 = arith.addi %mul3A_697, %add3A_705 : vector<16xi32>
    %gather3A_707 = tpu.vector_load_idx %arg5[%add3A_706] : memref<20480xf32, #tpu.memory_space<vmem>>[vector<16xi32>], vector<16xf32>,
    %swap3A_708 = arith.constant 688 : index
    %swap3A_709 = tpu.vector_load %arg7[%swap3A_708] {strides = array<i32>} : memref<1152xf32, #tpu.memory_space<vmem>>, vector<16xf32>,
    tpu.vector_store %arg7[%swap3A_708], %gather3A_707 {strides = array<i32>} : memref<1152xf32, #tpu.memory_space<vmem>>, vector<16xf32>,
    %add3A_710 = arith.constant 2 : i32
    %add3A_711 = vector.broadcast %add3A_710 : i32 to vector<16xi32>
    %add3A_712 = arith.addi %mul3A_697, %add3A_711 : vector<16xi32>
    %gather3A_713 = tpu.vector_load_idx %arg5[%add3A_712] : memref<20480xf32, #tpu.memory_space<vmem>>[vector<16xi32>], vector<16xf32>,
    %swap3A_714 = arith.constant 752 : index
    %swap3A_715 = tpu.vector_load %arg7[%swap3A_714] {strides = array<i32>} : memref<1152xf32, #tpu.memory_space<vmem>>, vector<16xf32>,
    tpu.vector_store %arg7[%swap3A_714], %gather3A_713 {strides = array<i32>} : memref<1152xf32, #tpu.memory_space<vmem>>, vector<16xf32>,
    %add3A_716 = arith.constant 3 : i32
    %add3A_717 = vector.broadcast %add3A_716 : i32 to vector<16xi32>
    %add3A_718 = arith.addi %mul3A_697, %add3A_717 : vector<16xi32>
    %gather3A_719 = tpu.vector_load_idx %arg5[%add3A_718] : memref<20480xf32, #tpu.memory_space<vmem>>[vector<16xi32>], vector<16xf32>,
    %swap3A_720 = arith.constant 816 : index
    %swap3A_721 = tpu.vector_load %arg7[%swap3A_720] {strides = array<i32>} : memref<1152xf32, #tpu.memory_space<vmem>>, vector<16xf32>,
    tpu.vector_store %arg7[%swap3A_720], %gather3A_719 {strides = array<i32>} : memref<1152xf32, #tpu.memory_space<vmem>>, vector<16xf32>,
    %add3A_722 = arith.constant 4 : i32
    %add3A_723 = vector.broadcast %add3A_722 : i32 to vector<16xi32>
    %add3A_724 = arith.addi %mul3A_697, %add3A_723 : vector<16xi32>
    %gather3A_725 = tpu.vector_load_idx %arg5[%add3A_724] : memref<20480xf32, #tpu.memory_space<vmem>>[vector<16xi32>], vector<16xf32>,
    %swap3A_726 = arith.constant 880 : index
    %swap3A_727 = tpu.vector_load %arg7[%swap3A_726] {strides = array<i32>} : memref<1152xf32, #tpu.memory_space<vmem>>, vector<16xf32>,
    tpu.vector_store %arg7[%swap3A_726], %gather3A_725 {strides = array<i32>} : memref<1152xf32, #tpu.memory_space<vmem>>, vector<16xf32>,
    %swap3A_728 = arith.constant 944 : index
    %swap3A_729 = tpu.vector_load %arg7[%swap3A_728] {strides = array<i32>} : memref<1152xf32, #tpu.memory_space<vmem>>, vector<16xf32>,
    tpu.vector_store %arg7[%swap3A_728], %gather3A_658 {strides = array<i32>} : memref<1152xf32, #tpu.memory_space<vmem>>, vector<16xf32>,
    %swap3A_730 = arith.constant 1008 : index
    %swap3A_731 = tpu.vector_load %arg7[%swap3A_730] {strides = array<i32>} : memref<1152xf32, #tpu.memory_space<vmem>>, vector<16xf32>,
    tpu.vector_store %arg7[%swap3A_730], %gather3A_662 {strides = array<i32>} : memref<1152xf32, #tpu.memory_space<vmem>>, vector<16xf32>,
    %swap3A_732 = arith.constant 1072 : index
    %swap3A_733 = tpu.vector_load %arg7[%swap3A_732] {strides = array<i32>} : memref<1152xf32, #tpu.memory_space<vmem>>, vector<16xf32>,
    tpu.vector_store %arg7[%swap3A_732], %gather3A_666 {strides = array<i32>} : memref<1152xf32, #tpu.memory_space<vmem>>, vector<16xf32>,
    %swap3A_734 = arith.constant 1136 : index
    %swap3A_735 = tpu.vector_load %arg7[%swap3A_734] {strides = array<i32>} : memref<1152xf32, #tpu.memory_space<vmem>>, vector<16xf32>,
    tpu.vector_store %arg7[%swap3A_734], %gather3A_670 {strides = array<i32>} : memref<1152xf32, #tpu.memory_space<vmem>>, vector<16xf32>,
    %mul3A_736 = arith.constant 2 : i32
    %mul3A_737 = arith.muli %add3A, %mul3A_736 : i32
    %mul3A_738 = arith.constant 576 : i32
    %mul3A_739 = arith.muli %mul3A_737, %mul3A_738 : i32
    "tpu.region"() ({
      %run_scoped3A = tpu.sem_alloc : memref<!tpu.dma_semaphore, #tpu.memory_space<semaphore_mem>>
      %dma_start3A = tpu.memref_slice %arg4[%mul3A_739] : memref<36864xf32, #tpu.memory_space<hbm>> -> memref<1152xf32, #tpu.memory_space<hbm>>
      %dma_start3A_740 = tpu.memref_slice %arg4[%mul3A_739] : memref<36864xf32, #tpu.memory_space<hbm>> -> memref<1152xf32, #tpu.memory_space<hbm>>
      tpu.enqueue_dma source(%arg7 : memref<1152xf32, #tpu.memory_space<vmem>>) target(%dma_start3A_740 : memref<1152xf32, #tpu.memory_space<hbm>>) target_semaphore(%run_scoped3A : memref<!tpu.dma_semaphore, #tpu.memory_space<semaphore_mem>>)
      %dma_wait3A = tpu.memref_slice %arg4[%mul3A_739] : memref<36864xf32, #tpu.memory_space<hbm>> -> memref<1152xf32, #tpu.memory_space<hbm>>
      %dma_wait3A_741 = tpu.memref_slice %arg4[%mul3A_739] : memref<36864xf32, #tpu.memory_space<hbm>> -> memref<1152xf32, #tpu.memory_space<hbm>>
      tpu.wait_dma2 semaphore(%run_scoped3A : memref<!tpu.dma_semaphore, #tpu.memory_space<semaphore_mem>>) src(%arg7 : memref<1152xf32, #tpu.memory_space<vmem>>) dst(%dma_wait3A_741 : memref<1152xf32, #tpu.memory_space<hbm>>)
      tpu.yield
    }) : () -> ()
    return
  }
}

module attributes {stable_mosaic.version = 14 : i64} {
  func.func @_tc_loss_body(%arg0: i32, %arg1: memref<256x640xf32, #tpu.memory_space<vmem>>, %arg2: memref<64x576xf32, #tpu.memory_space<vmem>>, %arg3: memref<1x1xf32, #tpu.memory_space<vmem>>, %arg4: memref<1xf32, #tpu.memory_space<smem>>) attributes {dimension_semantics = [#tpu.dimension_semantics<arbitrary>], iteration_bounds = array<i64: 8>, scalar_prefetch = 0 : i64, scratch_operands = 1 : i64, tpu.core_type = #tpu.core_type<tc>, window_params = [{transform_indices = @transform_0, window_bounds = array<i64: 256, 640>}, {pipeline_mode = #tpu.pipeline_mode<synchronous>, transform_indices = @transform_1, window_bounds = array<i64: 64, 576>}, {pipeline_mode = #tpu.pipeline_mode<synchronous>, transform_indices = @transform_2, window_bounds = array<i64: 1, 1>}]} {
    %get3A = arith.constant 0 : index
    %get3A_0 = arith.constant 0 : index
    %get3A_1 = vector.load %arg1[%get3A, %get3A_0] : memref<256x640xf32, #tpu.memory_space<vmem>>, vector<256x640xf32>
    %iota3A = tpu.iota {dimensions = array<i32: 1>} : vector<256x640xi32>
    %jit3A = arith.constant 5 : i32
    %eq3A = arith.constant 0 : i32
    %eq3A_2 = arith.cmpi eq, %jit3A, %eq3A : i32
    %jit3A_3 = arith.constant 1 : i32
    %select_n3A = arith.select %eq3A_2, %jit3A_3, %jit3A : i32
    %rem3A = vector.broadcast %select_n3A : i32 to vector<256x640xi32>
    %rem3A_4 = arith.remsi %iota3A, %rem3A : vector<256x640xi32>
    %ne3A = arith.constant 0 : i32
    %ne3A_5 = vector.broadcast %ne3A : i32 to vector<256x640xi32>
    %ne3A_6 = arith.cmpi ne, %rem3A_4, %ne3A_5 : vector<256x640xi32>
    %lt3A = arith.constant 0 : i32
    %lt3A_7 = vector.broadcast %lt3A : i32 to vector<256x640xi32>
    %lt3A_8 = arith.cmpi slt, %rem3A_4, %lt3A_7 : vector<256x640xi32>
    %lt3A_9 = arith.constant 0 : i32
    %lt3A_10 = arith.cmpi slt, %select_n3A, %lt3A_9 : i32
    %ne3A_11 = vector.broadcast %lt3A_10 : i1 to vector<256x640xi1>
    %ne3A_12 = vector.broadcast %ne3A_11 : vector<256x640xi1> to vector<256x640xi1>
    %ne3A_13 = arith.xori %lt3A_8, %ne3A_12 : vector<256x640xi1>
    %and3A = arith.andi %ne3A_13, %ne3A_6 : vector<256x640xi1>
    %add3A = vector.broadcast %select_n3A : i32 to vector<256x640xi32>
    %add3A_14 = arith.addi %rem3A_4, %add3A : vector<256x640xi32>
    %select_n3A_15 = arith.select %and3A, %add3A_14, %rem3A_4 : vector<256x640xi1>, vector<256x640xi32>
    %eq3A_16 = arith.constant 4 : i32
    %eq3A_17 = vector.broadcast %eq3A_16 : i32 to vector<256x640xi32>
    %eq3A_18 = arith.cmpi eq, %select_n3A_15, %eq3A_17 : vector<256x640xi32>
    %max3A = arith.constant 0.000000e+00 : f32
    %max3A_19 = vector.broadcast %max3A : f32 to vector<256x640xf32>
    %max3A_20 = arith.maximumf %get3A_1, %max3A_19 : vector<256x640xf32>
    %abs3A = math.absf %get3A_1 : vector<256x640xf32>
    %neg3A = arith.constant 0.000000e+00 : f32
    %neg3A_21 = vector.broadcast %neg3A : f32 to vector<256x640xf32>
    %neg3A_22 = arith.subf %neg3A_21, %abs3A : vector<256x640xf32>
    %exp3A = math.exp %neg3A_22 : vector<256x640xf32>
    %log1p3A = math.log1p %exp3A : vector<256x640xf32>
    %add3A_23 = arith.addf %max3A_20, %log1p3A : vector<256x640xf32>
    %jit3A_24 = arith.constant 0.000000e+00 : f32
    %broadcast_in_dim3A = vector.broadcast %jit3A_24 : f32 to vector<256x640xf32>
    %select_n3A_25 = arith.select %eq3A_18, %add3A_23, %broadcast_in_dim3A : vector<256x640xi1>, vector<256x640xf32>
    %reduce_sum3A = vector.shape_cast %select_n3A_25 : vector<256x640xf32> to vector<1x256x640xf32>
    %reduce_sum3A_26 = arith.constant dense<0.000000e+00> : vector<1xf32>
    %reduce_sum3A_27 = vector.multi_reduction <add>, %reduce_sum3A, %reduce_sum3A_26 [1, 2] : vector<1x256x640xf32> to vector<1xf32>
    %reduce_sum3A_28 = vector.shape_cast %reduce_sum3A_27 : vector<1xf32> to vector<1x1x1xf32>
    %reduce_sum3A_29 = vector.extract %reduce_sum3A_28[0, 0, 0] : f32 from vector<1x1x1xf32>
    %eq3A_30 = arith.constant 0 : i32
    %eq3A_31 = arith.cmpi eq, %arg0, %eq3A_30 : i32
    %convert_element_type3A = arith.extui %eq3A_31 : i1 to i32
    %cond3A = arith.constant 0 : i32
    %cond3A_32 = arith.cmpi ne, %convert_element_type3A, %cond3A : i32
    scf.if %cond3A_32 {
      %swap3A = arith.constant 0 : index
      %swap3A_42 = memref.load %arg4[%swap3A] : memref<1xf32, #tpu.memory_space<smem>>
      memref.store %reduce_sum3A_29, %arg4[%swap3A] : memref<1xf32, #tpu.memory_space<smem>>
    } else {
    }
    %gt3A = arith.constant 0 : i32
    %gt3A_33 = arith.cmpi sgt, %arg0, %gt3A : i32
    %convert_element_type3A_34 = arith.extui %gt3A_33 : i1 to i32
    %cond3A_35 = arith.constant 0 : i32
    %cond3A_36 = arith.cmpi ne, %convert_element_type3A_34, %cond3A_35 : i32
    scf.if %cond3A_36 {
      %get3A_42 = arith.constant 0 : index
      %get3A_43 = memref.load %arg4[%get3A_42] : memref<1xf32, #tpu.memory_space<smem>>
      %add3A_44 = arith.addf %get3A_43, %reduce_sum3A_29 : f32
      %swap3A = arith.constant 0 : index
      %swap3A_45 = memref.load %arg4[%swap3A] : memref<1xf32, #tpu.memory_space<smem>>
      memref.store %add3A_44, %arg4[%swap3A] : memref<1xf32, #tpu.memory_space<smem>>
    } else {
    }
    %eq3A_37 = arith.constant 7 : i32
    %eq3A_38 = arith.cmpi eq, %arg0, %eq3A_37 : i32
    %convert_element_type3A_39 = arith.extui %eq3A_38 : i1 to i32
    %cond3A_40 = arith.constant 0 : i32
    %cond3A_41 = arith.cmpi ne, %convert_element_type3A_39, %cond3A_40 : i32
    scf.if %cond3A_41 {
      %get3A_42 = arith.constant 0 : index
      %get3A_43 = arith.constant 0 : index
      %get3A_44 = vector.load %arg2[%get3A_42, %get3A_43] : memref<64x576xf32, #tpu.memory_space<vmem>>, vector<64x576xf32>
      %slice3A = vector.extract_strided_slice %get3A_44 {offsets = [0, 320], sizes = [64, 60], strides = [1, 1]} : vector<64x576xf32> to vector<64x60xf32>
      %slice3A_45 = vector.extract_strided_slice %get3A_44 {offsets = [0, 384], sizes = [64, 60], strides = [1, 1]} : vector<64x576xf32> to vector<64x60xf32>
      %mul3A = arith.constant 6.400000e+01 : f32
      %mul3A_46 = vector.broadcast %mul3A : f32 to vector<64x60xf32>
      %mul3A_47 = arith.mulf %slice3A, %mul3A_46 : vector<64x60xf32>
      %mul3A_48 = arith.constant 6.400000e+01 : f32
      %mul3A_49 = vector.broadcast %mul3A_48 : f32 to vector<64x60xf32>
      %mul3A_50 = arith.mulf %slice3A_45, %mul3A_49 : vector<64x60xf32>
      %convert_element_type3A_51 = arith.fptosi %mul3A_47 : vector<64x60xf32> to vector<64x60xi32>
      %convert_element_type3A_52 = arith.fptosi %mul3A_50 : vector<64x60xf32> to vector<64x60xi32>
      %jit3A_53 = arith.constant 0 : i32
      %jit3A_54 = arith.constant 63 : i32
      %max3A_55 = vector.broadcast %jit3A_53 : i32 to vector<64x60xi32>
      %max3A_56 = arith.maxsi %max3A_55, %convert_element_type3A_52 : vector<64x60xi32>
      %min3A = vector.broadcast %jit3A_54 : i32 to vector<64x60xi32>
      %min3A_57 = arith.minsi %min3A, %max3A_56 : vector<64x60xi32>
      %mul3A_58 = arith.constant 64 : i32
      %mul3A_59 = vector.broadcast %mul3A_58 : i32 to vector<64x60xi32>
      %mul3A_60 = arith.muli %min3A_57, %mul3A_59 : vector<64x60xi32>
      %jit3A_61 = arith.constant 0 : i32
      %jit3A_62 = arith.constant 63 : i32
      %max3A_63 = vector.broadcast %jit3A_61 : i32 to vector<64x60xi32>
      %max3A_64 = arith.maxsi %max3A_63, %convert_element_type3A_51 : vector<64x60xi32>
      %min3A_65 = vector.broadcast %jit3A_62 : i32 to vector<64x60xi32>
      %min3A_66 = arith.minsi %min3A_65, %max3A_64 : vector<64x60xi32>
      %add3A_67 = arith.addi %mul3A_60, %min3A_66 : vector<64x60xi32>
      %broadcast_in_dim3A_68 = vector.shape_cast %add3A_67 : vector<64x60xi32> to vector<64x60x1xi32>
      %broadcast_in_dim3A_69 = vector.shape_cast %add3A_67 : vector<64x60xi32> to vector<64x1x60xi32>
      %eq3A_70 = vector.broadcast %broadcast_in_dim3A_68 : vector<64x60x1xi32> to vector<64x60x60xi32>
      %eq3A_71 = vector.broadcast %broadcast_in_dim3A_69 : vector<64x1x60xi32> to vector<64x60x60xi32>
      %eq3A_72 = arith.cmpi eq, %eq3A_70, %eq3A_71 : vector<64x60x60xi32>
      %iota3A_73 = tpu.iota {dimensions = array<i32: 0>} : vector<60x60xi32>
      %iota3A_74 = tpu.iota {dimensions = array<i32: 1>} : vector<60x60xi32>
      %gt3A_75 = arith.cmpi sgt, %iota3A_74, %iota3A_73 : vector<60x60xi32>
      %broadcast_in_dim3A_76 = vector.shape_cast %gt3A_75 : vector<60x60xi1> to vector<1x60x60xi1>
      %and3A_77 = vector.broadcast %broadcast_in_dim3A_76 : vector<1x60x60xi1> to vector<64x60x60xi1>
      %and3A_78 = arith.andi %eq3A_72, %and3A_77 : vector<64x60x60xi1>
      %reduce_or3A = arith.constant 1.000000e+00 : f32
      %reduce_or3A_79 = arith.constant 0.000000e+00 : f32
      %reduce_or3A_80 = vector.broadcast %reduce_or3A : f32 to vector<64x60x60xf32>
      %reduce_or3A_81 = vector.broadcast %reduce_or3A_79 : f32 to vector<64x60x60xf32>
      %reduce_or3A_82 = arith.select %and3A_78, %reduce_or3A_80, %reduce_or3A_81 : vector<64x60x60xi1>, vector<64x60x60xf32>
      %reduce_or3A_83 = arith.constant dense<0xFF800000> : vector<64x60xf32>
      %reduce_or3A_84 = vector.multi_reduction <maximumf>, %reduce_or3A_82, %reduce_or3A_83 [2] : vector<64x60x60xf32> to vector<64x60xf32>
      %reduce_or3A_85 = arith.constant 0.000000e+00 : f32
      %reduce_or3A_86 = vector.broadcast %reduce_or3A_85 : f32 to vector<64x60xf32>
      %reduce_or3A_87 = arith.cmpf ogt, %reduce_or3A_84, %reduce_or3A_86 : vector<64x60xf32>
      %jit3A_88 = arith.constant 0.000000e+00 : f32
      %jit3A_89 = arith.constant 1.000000e+00 : f32
      %broadcast_in_dim3A_90 = vector.broadcast %jit3A_88 : f32 to vector<64x60xf32>
      %broadcast_in_dim3A_91 = vector.broadcast %jit3A_89 : f32 to vector<64x60xf32>
      %select_n3A_92 = arith.select %reduce_or3A_87, %broadcast_in_dim3A_90, %broadcast_in_dim3A_91 : vector<64x60xi1>, vector<64x60xf32>
      %slice3A_93 = vector.extract_strided_slice %get3A_44 {offsets = [0, 0], sizes = [64, 60], strides = [1, 1]} : vector<64x576xf32> to vector<64x60xf32>
      %slice3A_94 = vector.extract_strided_slice %get3A_44 {offsets = [0, 64], sizes = [64, 60], strides = [1, 1]} : vector<64x576xf32> to vector<64x60xf32>
      %slice3A_95 = vector.extract_strided_slice %get3A_44 {offsets = [0, 128], sizes = [64, 60], strides = [1, 1]} : vector<64x576xf32> to vector<64x60xf32>
      %slice3A_96 = vector.extract_strided_slice %get3A_44 {offsets = [0, 192], sizes = [64, 60], strides = [1, 1]} : vector<64x576xf32> to vector<64x60xf32>
      %slice3A_97 = vector.extract_strided_slice %get3A_44 {offsets = [0, 256], sizes = [64, 60], strides = [1, 1]} : vector<64x576xf32> to vector<64x60xf32>
      %convert_element_type3A_98 = arith.sitofp %convert_element_type3A_51 : vector<64x60xi32> to vector<64x60xf32>
      %sub3A = arith.subf %mul3A_47, %convert_element_type3A_98 : vector<64x60xf32>
      %convert_element_type3A_99 = arith.sitofp %convert_element_type3A_52 : vector<64x60xi32> to vector<64x60xf32>
      %sub3A_100 = arith.subf %mul3A_50, %convert_element_type3A_99 : vector<64x60xf32>
      %slice3A_101 = vector.extract_strided_slice %get3A_44 {offsets = [0, 448], sizes = [64, 60], strides = [1, 1]} : vector<64x576xf32> to vector<64x60xf32>
      %slice3A_102 = vector.extract_strided_slice %get3A_44 {offsets = [0, 512], sizes = [64, 60], strides = [1, 1]} : vector<64x576xf32> to vector<64x60xf32>
      %sub3A_103 = arith.subf %slice3A_93, %sub3A : vector<64x60xf32>
      %abs3A_104 = math.absf %sub3A_103 : vector<64x60xf32>
      %lt3A_105 = arith.constant 1.000000e+00 : f32
      %lt3A_106 = vector.broadcast %lt3A_105 : f32 to vector<64x60xf32>
      %lt3A_107 = arith.cmpf olt, %abs3A_104, %lt3A_106 : vector<64x60xf32>
      %mul3A_108 = arith.constant 5.000000e-01 : f32
      %mul3A_109 = vector.broadcast %mul3A_108 : f32 to vector<64x60xf32>
      %mul3A_110 = arith.mulf %mul3A_109, %sub3A_103 : vector<64x60xf32>
      %mul3A_111 = arith.mulf %mul3A_110, %sub3A_103 : vector<64x60xf32>
      %sub3A_112 = arith.constant 5.000000e-01 : f32
      %sub3A_113 = vector.broadcast %sub3A_112 : f32 to vector<64x60xf32>
      %sub3A_114 = arith.subf %abs3A_104, %sub3A_113 : vector<64x60xf32>
      %select_n3A_115 = arith.select %lt3A_107, %mul3A_111, %sub3A_114 : vector<64x60xi1>, vector<64x60xf32>
      %sub3A_116 = arith.subf %slice3A_94, %sub3A_100 : vector<64x60xf32>
      %abs3A_117 = math.absf %sub3A_116 : vector<64x60xf32>
      %lt3A_118 = arith.constant 1.000000e+00 : f32
      %lt3A_119 = vector.broadcast %lt3A_118 : f32 to vector<64x60xf32>
      %lt3A_120 = arith.cmpf olt, %abs3A_117, %lt3A_119 : vector<64x60xf32>
      %mul3A_121 = arith.constant 5.000000e-01 : f32
      %mul3A_122 = vector.broadcast %mul3A_121 : f32 to vector<64x60xf32>
      %mul3A_123 = arith.mulf %mul3A_122, %sub3A_116 : vector<64x60xf32>
      %mul3A_124 = arith.mulf %mul3A_123, %sub3A_116 : vector<64x60xf32>
      %sub3A_125 = arith.constant 5.000000e-01 : f32
      %sub3A_126 = vector.broadcast %sub3A_125 : f32 to vector<64x60xf32>
      %sub3A_127 = arith.subf %abs3A_117, %sub3A_126 : vector<64x60xf32>
      %select_n3A_128 = arith.select %lt3A_120, %mul3A_124, %sub3A_127 : vector<64x60xi1>, vector<64x60xf32>
      %add3A_129 = arith.addf %select_n3A_115, %select_n3A_128 : vector<64x60xf32>
      %sub3A_130 = arith.subf %slice3A_95, %slice3A_101 : vector<64x60xf32>
      %abs3A_131 = math.absf %sub3A_130 : vector<64x60xf32>
      %lt3A_132 = arith.constant 1.000000e+00 : f32
      %lt3A_133 = vector.broadcast %lt3A_132 : f32 to vector<64x60xf32>
      %lt3A_134 = arith.cmpf olt, %abs3A_131, %lt3A_133 : vector<64x60xf32>
      %mul3A_135 = arith.constant 5.000000e-01 : f32
      %mul3A_136 = vector.broadcast %mul3A_135 : f32 to vector<64x60xf32>
      %mul3A_137 = arith.mulf %mul3A_136, %sub3A_130 : vector<64x60xf32>
      %mul3A_138 = arith.mulf %mul3A_137, %sub3A_130 : vector<64x60xf32>
      %sub3A_139 = arith.constant 5.000000e-01 : f32
      %sub3A_140 = vector.broadcast %sub3A_139 : f32 to vector<64x60xf32>
      %sub3A_141 = arith.subf %abs3A_131, %sub3A_140 : vector<64x60xf32>
      %select_n3A_142 = arith.select %lt3A_134, %mul3A_138, %sub3A_141 : vector<64x60xi1>, vector<64x60xf32>
      %add3A_143 = arith.addf %add3A_129, %select_n3A_142 : vector<64x60xf32>
      %sub3A_144 = arith.subf %slice3A_96, %slice3A_102 : vector<64x60xf32>
      %abs3A_145 = math.absf %sub3A_144 : vector<64x60xf32>
      %lt3A_146 = arith.constant 1.000000e+00 : f32
      %lt3A_147 = vector.broadcast %lt3A_146 : f32 to vector<64x60xf32>
      %lt3A_148 = arith.cmpf olt, %abs3A_145, %lt3A_147 : vector<64x60xf32>
      %mul3A_149 = arith.constant 5.000000e-01 : f32
      %mul3A_150 = vector.broadcast %mul3A_149 : f32 to vector<64x60xf32>
      %mul3A_151 = arith.mulf %mul3A_150, %sub3A_144 : vector<64x60xf32>
      %mul3A_152 = arith.mulf %mul3A_151, %sub3A_144 : vector<64x60xf32>
      %sub3A_153 = arith.constant 5.000000e-01 : f32
      %sub3A_154 = vector.broadcast %sub3A_153 : f32 to vector<64x60xf32>
      %sub3A_155 = arith.subf %abs3A_145, %sub3A_154 : vector<64x60xf32>
      %select_n3A_156 = arith.select %lt3A_148, %mul3A_152, %sub3A_155 : vector<64x60xi1>, vector<64x60xf32>
      %add3A_157 = arith.addf %add3A_143, %select_n3A_156 : vector<64x60xf32>
      %max3A_158 = arith.constant 0.000000e+00 : f32
      %max3A_159 = vector.broadcast %max3A_158 : f32 to vector<64x60xf32>
      %max3A_160 = arith.maximumf %slice3A_97, %max3A_159 : vector<64x60xf32>
      %abs3A_161 = math.absf %slice3A_97 : vector<64x60xf32>
      %neg3A_162 = arith.constant 0.000000e+00 : f32
      %neg3A_163 = vector.broadcast %neg3A_162 : f32 to vector<64x60xf32>
      %neg3A_164 = arith.subf %neg3A_163, %abs3A_161 : vector<64x60xf32>
      %exp3A_165 = math.exp %neg3A_164 : vector<64x60xf32>
      %log1p3A_166 = math.log1p %exp3A_165 : vector<64x60xf32>
      %add3A_167 = arith.addf %max3A_160, %log1p3A_166 : vector<64x60xf32>
      %mul3A_168 = arith.constant 5.000000e-01 : f32
      %mul3A_169 = vector.broadcast %mul3A_168 : f32 to vector<64x60xf32>
      %mul3A_170 = arith.mulf %mul3A_169, %add3A_167 : vector<64x60xf32>
      %sub3A_171 = arith.subf %mul3A_170, %slice3A_97 : vector<64x60xf32>
      %mul3A_172 = arith.constant 5.000000e+00 : f32
      %mul3A_173 = vector.broadcast %mul3A_172 : f32 to vector<64x60xf32>
      %mul3A_174 = arith.mulf %mul3A_173, %add3A_157 : vector<64x60xf32>
      %add3A_175 = arith.addf %sub3A_171, %mul3A_174 : vector<64x60xf32>
      %mul3A_176 = arith.mulf %select_n3A_92, %add3A_175 : vector<64x60xf32>
      %reduce_sum3A_177 = vector.shape_cast %mul3A_176 : vector<64x60xf32> to vector<1x64x60xf32>
      %reduce_sum3A_178 = arith.constant dense<0.000000e+00> : vector<1xf32>
      %reduce_sum3A_179 = vector.multi_reduction <add>, %reduce_sum3A_177, %reduce_sum3A_178 [1, 2] : vector<1x64x60xf32> to vector<1xf32>
      %reduce_sum3A_180 = vector.shape_cast %reduce_sum3A_179 : vector<1xf32> to vector<1x1x1xf32>
      %reduce_sum3A_181 = vector.extract %reduce_sum3A_180[0, 0, 0] : f32 from vector<1x1x1xf32>
      %get3A_182 = arith.constant 0 : index
      %get3A_183 = memref.load %arg4[%get3A_182] : memref<1xf32, #tpu.memory_space<smem>>
      %mul3A_184 = arith.constant 5.000000e-01 : f32
      %mul3A_185 = arith.mulf %mul3A_184, %get3A_183 : f32
      %add3A_186 = arith.addf %mul3A_185, %reduce_sum3A_181 : f32
      %div3A = arith.constant 6.400000e+01 : f32
      %div3A_187 = arith.divf %add3A_186, %div3A : f32
      %reshape3A = vector.broadcast %div3A_187 : f32 to vector<1x1xf32>
      %swap3A = arith.constant 0 : index
      %swap3A_188 = arith.constant 0 : index
      %swap3A_189 = vector.load %arg3[%swap3A, %swap3A_188] : memref<1x1xf32, #tpu.memory_space<vmem>>, vector<1x1xf32>
      tpu.vector_store %arg3[%swap3A, %swap3A_188], %reshape3A {strides = array<i32>} : memref<1x1xf32, #tpu.memory_space<vmem>>, vector<1x1xf32>,
    } else {
    }
    return
  }
  func.func @transform_0(%arg0: i32) -> (i32, i32) {
    %c0_i32 = arith.constant 0 : i32
    %c0_i32_0 = arith.constant 0 : i32
    return %arg0, %c0_i32 : i32, i32
  }
  func.func @transform_1(%arg0: i32) -> (i32, i32) {
    %c0_i32 = arith.constant 0 : i32
    %c0_i32_0 = arith.constant 0 : i32
    %c0_i32_1 = arith.constant 0 : i32
    return %c0_i32, %c0_i32_0 : i32, i32
  }
  func.func @transform_2(%arg0: i32) -> (i32, i32) {
    %c0_i32 = arith.constant 0 : i32
    %c0_i32_0 = arith.constant 0 : i32
    %c0_i32_1 = arith.constant 0 : i32
    return %c0_i32, %c0_i32_0 : i32, i32
  }
}

</mosaic_0001>

<sc_bundles>
// kernel: kernel.4.cloned.1.call-start
scs
__scs_entry_jumppad:
0x0: {  	(pc) =	sbr.rel $0x88, $3  }
0x1: {  	(tag) =	ssettag $0x0;
	lr =	simm.s32 $0x1  }
0x2: {  	[smem:$0x3F9F] =	sst lr;
	_ =	strace $0xD0000000  }
0x3: {  	_ = 	snop  }
0x4: {  	_ = 	snop  }
0x5: {  	_ = 	snop  }
0x6: {  	_ = 	snop  }
0x7: {  	_ = 	snop  }
__scs_overlays_trampoline_lowered:
0x8: {  	[smem:$0x3FAE] =	sst s0  }
0x9: {  	[smem:$0x3FAF] =	sst s1  }
0xa: {  	[smem:$0x3FB0] =	sst s2  }
0xb: {  	[smem:$0x3FB1] =	sst s3  }
0xc: {  	[smem:$0x3FB2] =	sst s4  }
0xd: {  	[smem:$0x3FB3] =	sst s5  }
0xe: {  	[smem:$0x3FB4] =	sst s6  }
0xf: {  	[smem:$0x3FB5] =	sst s7  }
0x10: {  	[smem:$0x3FB6] =	sst s8  }
0x11: {  	[smem:$0x3FB7] =	sst s9;
	s0 =	simm.s32 @!p0 $0x0  }
0x12: {  	s1 =	sld [smem:$0x3F9D];
	s0 =	simm.s32 @p0 $0x1  }
0x13: {  	[smem:$0x3FB8] =	sst s0;
	s0 =	simm.s32 @!p1 $0x0  }
0x14: {  	s2 =	sld [smem:$0x3F9C];
	s0 =	simm.s32 @p1 $0x1  }
0x15: {  	[smem:$0x3FB9] =	sst s0;
	s0 =	simm.s32 @!p2 $0x0  }
0x16: {  	s3 =	sld [smem:$0x3FDB];
	s0 =	simm.s32 @p2 $0x1  }
0x17: {  	s4 =	simm.s32 $0x1BF5;
	[smem:$0x3FBB] =	sst s0  }
0x18: {  	s0 =	sld [smem:$0x3F9E];
	_ =	swait.ge [sflag:s4], $0x0  }
0x19: {  	s7 =	sld [smem:$0x3F9F]  }
0x1a: {  	s8 =	sadd.s32 $0xFFFFE003, lr  }
0x1b: {  	s9 =	sadd.s32 $0xFFFFFEF7, lr;
	s5 =	simm.s32 $0xFFFFFFFF;
	p2 =	slt.u32 s8, $0xFFFFF086  }
0x1c: {  	p1 =	slt.u32 s9, $0xF7A;
	s5 =	simm.s32 @!p2 $0x0  }
0x1d: {  	s5 =	simm.s32 @p1 $0x1;
	p0 =	seq.s32 s7, s2  }
0x1e: {  	s7 =	smul.u32 @!p0 $0xF7A, s2;
	p2 =	seq.s32 @!p0 s5, $0x0  }
0x1f: {  	s9 =	smul.u32 $0xF7A, s1;
	s8 =	simm.s32 @!p0 $0x1BF5;
	p2 =	por !p2, p0  }
0x20: {  	[sflag:s8] =	ssyncset.s32 @!p0 $0xFFFFF086;
	s6 =	sadd.s32 @!p0 s3, s7;
	s7 =	simm.s32 @!p0 $0x108  }
0x21: {  	s3 =	sadd.s32 s3, s9;
	s6 =	sadd.s32 @!p0 $0x88, s6;
	s7 =	simm.s32 @p2 $0x1082  }
0x22: {  	[simem:s7], [sflag:s8] =	dma.local @!p0 [hbm:s6], $0xF7A  }
0x23: {  	s9 =	sor.u32 $0xD0000000, s2;
	s6 =	simm.s32 $0x108;
	_ =	swait.ge @!p0 [sflag:s8], $0x0  }
0x24: {  	s3 =	sadd.s32 $0x88, s3;
	s6 =	simm.s32 @!p1 $0x1082;
	[sflag:s4] =	ssyncset.s32 $0xFFFFF086  }
0x25: {  	[simem:s6], [sflag:s4] =	dma.local [hbm:s3], $0xF7A  }
0x26: {  	[smem:$0x3F9F] =	sst s1;
	(tag) =	ssettag s2;
	_ =	strace s9  }
0x27: {  	s1 =	sld [smem:$0x3FAF]  }
0x28: {  	s2 =	sld [smem:$0x3FB0]  }
0x29: {  	s4 =	sld [smem:$0x3FB2]  }
0x2a: {  	p0 =	seq.s32 s5, $0x0;
	s5 =	sld [smem:$0x3FB3]  }
0x2b: {  	s6 =	sld [smem:$0x3FB4]  }
0x2c: {  	s7 =	sld [smem:$0x3FB5]  }
0x2d: {  	s3 =	simm.s32 $0x108;
	s8 =	sld [smem:$0x3FB6]  }
0x2e: {  	s3 =	simm.s32 @!p0 $0x1082;
	s9 =	sld [smem:$0x3FB7]  }
0x2f: {  	lr =	sadd.s32 s0, s3;
	s0 =	sld [smem:$0x3FAE]  }
0x30: {  	s3 =	sld [smem:$0x3FB1]  }
0x31: {  	[smem:$0x3FBA] =	sst s10  }
0x32: {  	s10 =	sld [smem:$0x3FB8];
	_ =	sdelay $0x3  }
0x33: {  	p0 =	seq.s32 s10, $0x1;
	s10 =	sld [smem:$0x3FBA];
	_ =	sdelay $0x3  }
0x34: {  	[smem:$0x3FBA] =	sst s10  }
0x35: {  	s10 =	sld [smem:$0x3FB9];
	_ =	sdelay $0x3  }
0x36: {  	p1 =	seq.s32 s10, $0x1;
	s10 =	sld [smem:$0x3FBA];
	_ =	sdelay $0x3  }
0x37: {  	[smem:$0x3FBA] =	sst s10  }
0x38: {  	s10 =	sld [smem:$0x3FBB]  }
0x39: {  	_ = 	snop;
	(pc) =	sbr.ind lr, $3  }
0x3a: {  	_ = 	snop  }
0x3b: {  	_ = 	snop  }
0x3c: {  	p2 =	seq.s32 s10, $0x1;
	s10 =	sld [smem:$0x3FBA]  }
0x3d: {  	_ =	shalt  }
0x3e: {  	_ =	shalt  }
0x3f: {  	_ =	shalt  }
0x40: {  	_ =	shalt  }
0x41: {  	_ =	shalt  }
0x42: {  	_ =	shalt  }
0x43: {  	_ =	shalt  }
0x44: {  	_ =	shalt  }
0x45: {  	_ =	shalt  }
0x46: {  	_ =	shalt  }
0x47: {  	_ =	shalt  }
0x48: {  	_ =	shalt  }
0x49: {  	_ =	shalt  }
0x4a: {  	_ =	shalt  }
0x4b: {  	_ =	shalt  }
0x4c: {  	_ =	shalt  }
0x4d: {  	_ =	shalt  }
0x4e: {  	_ =	shalt  }
0x4f: {  	_ =	shalt  }
0x50: {  	_ =	shalt  }
0x51: {  	_ =	shalt  }
0x52: {  	_ =	shalt  }
0x53: {  	_ =	shalt  }
0x54: {  	_ =	shalt  }
0x55: {  	_ =	shalt  }
0x56: {  	_ =	shalt  }
0x57: {  	_ =	shalt  }
0x58: {  	_ =	shalt  }
0x59: {  	_ =	shalt  }
0x5a: {  	_ =	shalt  }
0x5b: {  	_ =	shalt  }
0x5c: {  	_ =	shalt  }
0x5d: {  	_ =	shalt  }
0x5e: {  	_ =	shalt  }
0x5f: {  	_ =	shalt  }
0x60: {  	_ =	shalt  }
0x61: {  	_ =	shalt  }
0x62: {  	_ =	shalt  }
0x63: {  	_ =	shalt  }
0x64: {  	_ =	shalt  }
0x65: {  	_ =	shalt  }
0x66: {  	_ =	shalt  }
0x67: {  	_ =	shalt  }
0x68: {  	_ =	shalt  }
0x69: {  	_ =	shalt  }
0x6a: {  	_ =	shalt  }
0x6b: {  	_ =	shalt  }
0x6c: {  	_ =	shalt  }
0x6d: {  	_ =	shalt  }
0x6e: {  	_ =	shalt  }
0x6f: {  	_ =	shalt  }
0x70: {  	_ =	shalt  }
0x71: {  	_ =	shalt  }
0x72: {  	_ =	shalt  }
0x73: {  	_ =	shalt  }
0x74: {  	_ =	shalt  }
0x75: {  	_ =	shalt  }
0x76: {  	_ =	shalt  }
0x77: {  	_ =	shalt  }
0x78: {  	_ =	shalt  }
0x79: {  	_ =	shalt  }
0x7a: {  	_ =	shalt  }
0x7b: {  	_ =	shalt  }
0x7c: {  	_ =	shalt  }
0x7d: {  	_ =	shalt  }
0x7e: {  	_ =	shalt  }
0x7f: {  	_ =	shalt  }
0x80: {  	_ =	shalt  }
0x81: {  	_ =	shalt  }
0x82: {  	_ =	shalt  }
0x83: {  	_ =	shalt  }
0x84: {  	_ =	shalt  }
0x85: {  	_ =	shalt  }
0x86: {  	_ =	shalt  }
0x87: {  	_ =	shalt  }
.Lfunc_end0:
.L_simem_size_0:
called_computation_lowered:
.L_overlay_start_0:
0x88: {  	s2 =	sld [smem:$0x3FD9]  }
0x89: {  	s3 =	sld [smem:$0x3FFE];
	_ =	sdelay $0x1  }
0x8a: {  	s1 =	srdreg.scid  }
0x8b: {  	s0 =	sand.u32 $0x1, s1  }
0x8c: {  	s16 =	sshll.u32 s0, $0xA;
	s2 =	sadd.s32 s3, s2  }
0x8d: {  	s2 =	sadd.s32 s2, s16  }
0x8e: {  	[smem:$0x3FC6] =	sst s2  }
0x8f: {  	_ = 	snop  }
0x90: {  	(tm) =	ssettm $0x1  }
0x91: {  	s17 =	sld [smem:$0x3FFB];
	_ =	sdelay $0x3  }
0x92: {  	_ =	strace s17  }
0x93: {  	s2 =	sld [smem:$0x3FFC];
	_ =	sdelay $0x3  }
0x94: {  	_ =	strace s2  }
0x95: {  	s2 =	sld [smem:$0x3FFD];
	_ =	sdelay $0x3  }
0x96: {  	_ =	strace s2  }
0x97: {  	_ =	strace $0x8FFFFFFF  }
0x98: {  	s18 =	sld [smem:$0x3FDB];
	_ =	sdelay $0x1  }
0x99: {  	s19 =	simm.s32 $_scs_section_size  }
0x9a: {  	s4 =	simm.s32 $_size__tile_overlayer_lowered;
	s5 =	simm.s32 $_tile_overlayer_lowered  }
0x9b: {  	s22 =	simm.s32 $0x1BFF;
	s21 =	sshll.u32 s5, $0x1;
	s2 =	sadd.s32 s19, s18  }
0x9c: {  	s6 =	simm.s32 $0x0;
	s20 =	sshll.u32 s4, $0x1;
	s4 =	sadd.s32 s21, s2  }
0x9d: {  	[timem:s6], [sflag:s22] =	dma.local [hbm:s4], s20  }
0x9e: {  	_ =	swait.ge [sflag:s22], s20  }
0x9f: {  	s3 =	ssub.s32 $0x0, s20;
	[sflag:s22] =	ssyncset.done $0x0  }
0xa0: {  	[sflag:s22] =	ssyncadd.s32 s3;
	_ =	sdelay $0x1  }
0xa1: {  	s23 =	simm.s32 $0x1B8B  }
0xa2: {  	_ =	swait.ge [sflag:s23], $0x1  }
0xa3: {  	[sflag:s23] =	ssyncset.done $0x0  }
0xa4: {  	s25 =	simm.s32 $0x1B8E;
	s24 =	sld [smem:$0x3FFE];
	[sflag:s23] =	ssyncadd.s32 $0xFFFFFFFF  }
0xa5: {  	s26 =	simm.s32 $execute0_lowered;
	[smem:$0x3FD2] =	sst s25  }
0xa6: {  	s4 =	sshll.u32 s26, $0x1;
	_ =	strace $0x80000046;
	[dreg:$0x1] =	wrdreg $0xFFFFFFFF  }
0xa7: {  	s28 =	simm.s32 $_size_execute0_lowered;
	s2 =	sadd.s32 s2, s4;
	[dreg:$0x0] =	wrdreg $0x0  }
0xa8: {  	s4 =	sshll.u32 s28, $0x1;
	[dreg:$0x2] =	wrdreg s2  }
0xa9: {  	[dreg:$0x3] =	wrdreg s4  }
0xaa: {  	[dreg:$0x4] =	wrdreg $0xC0  }
0xab: {  	_ =	task [dreg:s6], $0x5FFFF  }
0xac: {  	[dreg:$0x1] =	wrdreg $0xFFFFFFFF  }
0xad: {  	[dreg:$0x0] =	wrdreg $0x60  }
0xae: {  	[dreg:$0x2] =	wrdreg s24  }
0xaf: {  	[dreg:$0x3] =	wrdreg $0x9  }
0xb0: {  	_ =	task.clear_ibuf [dreg:s6], $0x4FFFF;
	_ =	strace $0x90000046  }
0xb1: {  	s29 =	simm.s32 $0x9;
	_ =	strace $0x80000048  }
0xb2: {  	_ =	swait.ge [sflag:s29], $0x1  }
0xb3: {  	[sflag:s29] =	ssyncadd.s32 $0xFFFFFFFF  }
0xb4: {  	_ =	strace $0x90000048  }
0xb5: {  	_ =	sfence  }
0xb6: {  	s30 =	sld [smem:$0x0];
	_ =	sdelay $0x2  }
0xb7: {  	s31 =	sshll.u32 s1, $0xD;
	s1 =	sshrl.u32 s1, $0x2  }
0xb8: {  	s3 =	sand.u32 $0x4000, s31;
	s1 =	sadd.s32 s1, s30  }
0xb9: {  	s0 =	sor.u32 s3, s0;
	s1 =	sshll.u32 s1, $0x11  }
0xba: {  	s0 =	sor.u32 s1, s0  }
0xbb: {  	s0 =	sadd.s32 $0x8F2B, s0  }
0xbc: {  	[sflag:s0] =	ssyncadd.remote.s32 $0x1  }
0xbd: {  	_ =	sfence.sel $0xFFFF  }
0xbe: {  	[dreg:$0x0] =	wrdreg $0xFFFFFFFF;
	(pc) =	sbr.abs _section_cstart, $3  }
0xbf: {  	[dreg:$0x1] =	wrdreg $0xFFFFFFFF  }
0xc0: {  	_ =	task.clear_ibuf [dreg:s6], $0x2FFFF;
	_ =	strace $0x9FFFFFFF  }
0xc1: {  	(tm) =	ssettm $0x7FFFFFFF  }
tec
execute0_lowered:
.L_overlay_start_1:
0x0: {  	(tag) =	ssettag $0x1  }
0x1: {  	v0 =	vlaneseq.u32  }
0x2: {  	v31 =	vmul.u32 $0x5, v0;
	_ =	sdelay $0x1  }
0x3: {  	s1 =	srdreg.scid;
	s0 =	stileid.u32;
	v0 =	vadd.s32 $0x1, v31;
	v1 =	vadd.s32 $0x2, v31  }
0x4: {  	s4 =	sand.u32 $0x1, s1;
	s5 =	sshll.u32 s0, $0x1;
	v2 =	vadd.s32 $0x3, v31;
	v3 =	vadd.s32 $0x4, v31;
	v4 =	vadd.s32 $0x51, v31  }
0x5: {  	s3 =	rddreg [dreg:$0x0];
	s5 =	sor.u32 s4, s5;
	v5 =	vadd.s32 $0x52, v31;
	v6 =	vadd.s32 $0x53, v31;
	v7 =	vadd.s32 $0x54, v31  }
0x6: {  	s2 =	simm.s32 $0x0;
	s1 =	rddreg [dreg:$0x1];
	s6 =	smul.u32 $0x4B, s5;
	v8 =	vadd.s32 $0xA1, v31;
	v9 =	vadd.s32 $0xA2, v31;
	v10 =	vadd.s32 $0xA3, v31  }
0x7: {  	[smem:$0x7FF] =	sst s2;
	s4 =	ssub.s32 $0x2, s4;
	s7 =	smul.u32 $0x90, s5;
	v11 =	vadd.s32 $0xA4, v31;
	v12 =	vadd.s32 $0xF1, v31;
	v13 =	vadd.s32 $0xF2, v31  }
0x8: {  	s8 =	sadd.s32 $0x400600, s3;
	s9 =	smul.u32 $0xA000, s5;
	v14 =	vadd.s32 $0xF3, v31;
	v15 =	vadd.s32 $0xF4, v31;
	v16 =	vadd.s32 $0x12D, v31;
	s10 =	sshrl.u32 s4, $0x1  }
0x9: {  	_ =	strace $0x80000047;
	s5 =	smul.u32 $0x1400, s5;
	v17 =	vadd.s32 $0x12E, v31;
	v18 =	vadd.s32 $0x12F, v31;
	v19 =	vadd.s32 $0x130, v31;
	s10 =	ssub.s32 s4, s10  }
0xa: {  	v20 =	vadd.s32 $0x17D, v31;
	v21 =	vadd.s32 $0x17E, v31;
	v22 =	vadd.s32 $0x17F, v31;
	s6 =	sadd.s32 s6, s3;
	s7 =	sadd.s32 s7, s3;
	s9 =	sshrl.u32 s9, $0x3  }
0xb: {  	v23 =	vor.u32 $0x180, v31;
	v24 =	vadd.s32 $0x1CD, v31;
	v25 =	vadd.s32 $0x1CE, v31;
	s4 =	sadd.s32 s8, s5;
	s3 =	sadd.s32 $0x428600, s6;
	s31 =	sadd.s32 s8, s9  }
0xc: {  	v26 =	vadd.s32 $0x1CF, v31;
	v27 =	vadd.s32 $0x1D0, v31;
	v28 =	vadd.s32 $0x21D, v31;
	s6 =	sadd.s32 $0x429000, s7;
	s7 =	smax.u32 s10, $0x1;
	s8 =	simm.s32 $0x5000  }
0xd: {  	v29 =	vadd.s32 $0x21E, v31;
	v30 =	vadd.s32 $0x21F, v31;
	v31 =	vadd.s32 $0x220, v31;
	s9 =	simm.s32 $0x1;
	s10 =	simm.s32 $0x5280;
	s5 =	sadd.s32 $0xA00, s31  }
.LBB2_1:
0xe: {  	[tilespmem:s8], [sflag:$0x1] =	stream.linear.gather [hbm4b:s3+s2], $0x258, $0x38;
	[tilespmem:$0x5700] =	vst v63  }
0xf: {  	_ =	swait.ge [sflag:s9], $0x258  }
0x10: {  	[sflag:s9] =	ssyncset.done $0x0  }
0x11: {  	[sflag:s9] =	ssyncadd.s32 $0xFFFFFDA8  }
0x12: {  	[tilespmem:s2], [sflag:$0x1] =	stream.linear.gather [hbm4b:s4+s2], $0x5000, $0x38;
	[tilespmem:$0x5700] =	vst v63  }
0x13: {  	_ =	swait.ge [sflag:s9], $0x5000  }
0x14: {  	[sflag:s9] =	ssyncset.done $0x0  }
0x15: {  	[sflag:s9] =	ssyncadd.s32 $0xFFFFB000  }
0x16: {  	v32 =	vld.idx.msk [tilespmem:v1+s8+$0x0], $0xffff  }
0x17: {  	v33 =	vld.idx.msk [tilespmem:v0+s8+$0x0], $0xffff;
	_ =	sdelay $0x3  }
0x18: {  	v34 =	vmul.f32 $6.400000000e+01, v32  }
0x19: {  	v35 =	vmul.f32 $6.400000000e+01, v33  }
0x1a: {  	v34 =	vtrunc.f32 v34  }
0x1b: {  	v35 =	vtrunc.f32 v35;
	v34 =	vcvt.f32.s32 v34  }
0x1c: {  	v35 =	vcvt.f32.s32 v35  }
0x1d: {  	vm0 =	vgt.s32 v34, $0x0  }
0x1e: {  	vm13 =	vgt.s32 v35, $0x0;
	v34 =	vnsel vm0, $0x0, v34  }
0x1f: {  	v35 =	vnsel vm13, $0x0, v35;
	v34 =	vmin.u32 v34, $0x3F  }
0x20: {  	v35 =	vmin.u32 v35, $0x3F;
	v34 =	vshll.u32 v34, $0x6  }
0x21: {  	v34 =	vor.u32 v35, v34  }
0x22: {  	v34 =	vmul.u32 $0x5, v34;
	_ =	sdelay $0x5  }
0x23: {  	v41 =	vld.idx.msk [tilespmem:v34+s2+$0x0], $0xffff  }
0x24: {  	v36 =	vadd.s32 $0x1, v34;
	_ =	sdelay $0x2  }
0x25: {  	v37 =	vld.idx.msk [tilespmem:v2+s8+$0x0], $0xffff  }
0x26: {  	v38 =	vld.idx.msk [tilespmem:v3+s8+$0x0], $0xffff;
	[tilespmem:$0x5280] =	vst v41  }
0x27: {  	v35 =	vld.idx.msk [tilespmem:v36+s2+$0x0], $0xffff  }
0x28: {  	v42 =	vadd.s32 $0x2, v34;
	_ =	sdelay $0x3  }
0x29: {  	[tilespmem:$0x52C0] =	vst v35  }
0x2a: {  	v35 =	vld.idx.msk [tilespmem:v42+s2+$0x0], $0xffff  }
0x2b: {  	v43 =	vadd.s32 $0x3, v34;
	_ =	sdelay $0x3  }
0x2c: {  	[tilespmem:$0x5300] =	vst v35  }
0x2d: {  	v35 =	vld.idx.msk [tilespmem:v43+s2+$0x0], $0xffff  }
0x2e: {  	v34 =	vadd.s32 $0x4, v34;
	_ =	sdelay $0x3  }
0x2f: {  	[tilespmem:$0x5340] =	vst v35  }
0x30: {  	v34 =	vld.idx.msk [tilespmem:v34+s2+$0x0], $0xffff  }
0x31: {  	[tilespmem:$0x53C0] =	vst v33  }
0x32: {  	[tilespmem:$0x5400] =	vst v32  }
0x33: {  	[tilespmem:$0x5440] =	vst v37  }
0x34: {  	[tilespmem:$0x5480] =	vst v38  }
0x35: {  	[tilespmem:$0x5380] =	vst v34  }
0x36: {  	v32 =	vld.idx.msk [tilespmem:v5+s8+$0x0], $0xffff  }
0x37: {  	v33 =	vld.idx.msk [tilespmem:v4+s8+$0x0], $0xffff;
	_ =	sdelay $0x3  }
0x38: {  	v44 =	vmul.f32 $6.400000000e+01, v32  }
0x39: {  	v45 =	vmul.f32 $6.400000000e+01, v33  }
0x3a: {  	v34 =	vtrunc.f32 v44  }
0x3b: {  	v35 =	vtrunc.f32 v45;
	v34 =	vcvt.f32.s32 v34  }
0x3c: {  	v35 =	vcvt.f32.s32 v35  }
0x3d: {  	vm14 =	vgt.s32 v34, $0x0  }
0x3e: {  	vm15 =	vgt.s32 v35, $0x0;
	v34 =	vnsel vm14, $0x0, v34  }
0x3f: {  	v35 =	vnsel vm15, $0x0, v35;
	v34 =	vmin.u32 v34, $0x3F  }
0x40: {  	v35 =	vmin.u32 v35, $0x3F;
	v34 =	vshll.u32 v34, $0x6  }
0x41: {  	v34 =	vor.u32 v35, v34  }
0x42: {  	v34 =	vmul.u32 $0x5, v34;
	_ =	sdelay $0x5  }
0x43: {  	v46 =	vld.idx.msk [tilespmem:v34+s2+$0x0], $0xffff  }
0x44: {  	v47 =	vadd.s32 $0x1, v34;
	_ =	sdelay $0x2  }
0x45: {  	v37 =	vld.idx.msk [tilespmem:v6+s8+$0x0], $0xffff  }
0x46: {  	v38 =	vld.idx.msk [tilespmem:v7+s8+$0x0], $0xffff;
	[tilespmem:$0x5290] =	vst v46  }
0x47: {  	v35 =	vld.idx.msk [tilespmem:v47+s2+$0x0], $0xffff  }
0x48: {  	v48 =	vadd.s32 $0x2, v34;
	_ =	sdelay $0x3  }
0x49: {  	[tilespmem:$0x52D0] =	vst v35  }
0x4a: {  	v35 =	vld.idx.msk [tilespmem:v48+s2+$0x0], $0xffff  }
0x4b: {  	v49 =	vadd.s32 $0x3, v34;
	_ =	sdelay $0x3  }
0x4c: {  	[tilespmem:$0x5310] =	vst v35  }
0x4d: {  	v35 =	vld.idx.msk [tilespmem:v49+s2+$0x0], $0xffff  }
0x4e: {  	v34 =	vadd.s32 $0x4, v34;
	_ =	sdelay $0x3  }
0x4f: {  	[tilespmem:$0x5350] =	vst v35  }
0x50: {  	v34 =	vld.idx.msk [tilespmem:v34+s2+$0x0], $0xffff  }
0x51: {  	[tilespmem:$0x53D0] =	vst v33  }
0x52: {  	[tilespmem:$0x5410] =	vst v32  }
0x53: {  	[tilespmem:$0x5450] =	vst v37  }
0x54: {  	[tilespmem:$0x5490] =	vst v38  }
0x55: {  	[tilespmem:$0x5390] =	vst v34  }
0x56: {  	v32 =	vld.idx.msk [tilespmem:v9+s8+$0x0], $0xffff  }
0x57: {  	v33 =	vld.idx.msk [tilespmem:v8+s8+$0x0], $0xffff;
	_ =	sdelay $0x3  }
0x58: {  	v50 =	vmul.f32 $6.400000000e+01, v32  }
0x59: {  	v51 =	vmul.f32 $6.400000000e+01, v33  }
0x5a: {  	v34 =	vtrunc.f32 v50  }
0x5b: {  	v35 =	vtrunc.f32 v51;
	v34 =	vcvt.f32.s32 v34  }
0x5c: {  	v35 =	vcvt.f32.s32 v35  }
0x5d: {  	vm4 =	vgt.s32 v34, $0x0  }
0x5e: {  	vm5 =	vgt.s32 v35, $0x0;
	v34 =	vnsel vm4, $0x0, v34  }
0x5f: {  	v35 =	vnsel vm5, $0x0, v35;
	v34 =	vmin.u32 v34, $0x3F  }
0x60: {  	v35 =	vmin.u32 v35, $0x3F;
	v34 =	vshll.u32 v34, $0x6  }
0x61: {  	v34 =	vor.u32 v35, v34  }
0x62: {  	v34 =	vmul.u32 $0x5, v34;
	_ =	sdelay $0x5  }
0x63: {  	v52 =	vld.idx.msk [tilespmem:v34+s2+$0x0], $0xffff  }
0x64: {  	v53 =	vadd.s32 $0x1, v34;
	_ =	sdelay $0x2  }
0x65: {  	v37 =	vld.idx.msk [tilespmem:v10+s8+$0x0], $0xffff  }
0x66: {  	v38 =	vld.idx.msk [tilespmem:v11+s8+$0x0], $0xffff;
	[tilespmem:$0x52A0] =	vst v52  }
0x67: {  	v35 =	vld.idx.msk [tilespmem:v53+s2+$0x0], $0xffff  }
0x68: {  	v54 =	vadd.s32 $0x2, v34;
	_ =	sdelay $0x3  }
0x69: {  	[tilespmem:$0x52E0] =	vst v35  }
0x6a: {  	v35 =	vld.idx.msk [tilespmem:v54+s2+$0x0], $0xffff  }
0x6b: {  	v55 =	vadd.s32 $0x3, v34;
	_ =	sdelay $0x3  }
0x6c: {  	[tilespmem:$0x5320] =	vst v35  }
0x6d: {  	v35 =	vld.idx.msk [tilespmem:v55+s2+$0x0], $0xffff  }
0x6e: {  	v34 =	vadd.s32 $0x4, v34;
	_ =	sdelay $0x3  }
0x6f: {  	[tilespmem:$0x5360] =	vst v35  }
0x70: {  	v34 =	vld.idx.msk [tilespmem:v34+s2+$0x0], $0xffff  }
0x71: {  	[tilespmem:$0x53E0] =	vst v33  }
0x72: {  	[tilespmem:$0x5420] =	vst v32  }
0x73: {  	[tilespmem:$0x5460] =	vst v37  }
0x74: {  	[tilespmem:$0x54A0] =	vst v38  }
0x75: {  	[tilespmem:$0x53A0] =	vst v34  }
0x76: {  	v32 =	vld.idx.msk [tilespmem:v13+s8+$0x0], $0xffff  }
0x77: {  	v33 =	vld.idx.msk [tilespmem:v12+s8+$0x0], $0xffff;
	_ =	sdelay $0x3  }
0x78: {  	v56 =	vmul.f32 $6.400000000e+01, v32  }
0x79: {  	v57 =	vmul.f32 $6.400000000e+01, v33  }
0x7a: {  	v34 =	vtrunc.f32 v56  }
0x7b: {  	v35 =	vtrunc.f32 v57;
	v34 =	vcvt.f32.s32 v34  }
0x7c: {  	v35 =	vcvt.f32.s32 v35  }
0x7d: {  	vm6 =	vgt.s32 v34, $0x0  }
0x7e: {  	vm7 =	vgt.s32 v35, $0x0;
	v34 =	vnsel vm6, $0x0, v34  }
0x7f: {  	v35 =	vnsel vm7, $0x0, v35;
	v34 =	vmin.u32 v34, $0x3F  }
0x80: {  	v35 =	vmin.u32 v35, $0x3F;
	v34 =	vshll.u32 v34, $0x6  }
0x81: {  	v34 =	vor.u32 v35, v34  }
0x82: {  	v34 =	vmul.u32 $0x5, v34;
	_ =	sdelay $0x5  }
0x83: {  	v58 =	vld.idx.msk [tilespmem:v34+s2+$0x0], $0xffff  }
0x84: {  	v59 =	vadd.s32 $0x1, v34;
	_ =	sdelay $0x2  }
0x85: {  	v37 =	vld.idx.msk [tilespmem:v14+s8+$0x0], $0xffff  }
0x86: {  	v38 =	vld.idx.msk [tilespmem:v15+s8+$0x0], $0xffff;
	[tilespmem:$0x52B0] =	vst v58  }
0x87: {  	v35 =	vld.idx.msk [tilespmem:v59+s2+$0x0], $0xffff  }
0x88: {  	v60 =	vadd.s32 $0x2, v34;
	_ =	sdelay $0x3  }
0x89: {  	[tilespmem:$0x52F0] =	vst v35  }
0x8a: {  	v35 =	vld.idx.msk [tilespmem:v60+s2+$0x0], $0xffff  }
0x8b: {  	v61 =	vadd.s32 $0x3, v34;
	_ =	sdelay $0x3  }
0x8c: {  	[tilespmem:$0x5330] =	vst v35  }
0x8d: {  	v35 =	vld.idx.msk [tilespmem:v61+s2+$0x0], $0xffff  }
0x8e: {  	v34 =	vadd.s32 $0x4, v34;
	_ =	sdelay $0x3  }
0x8f: {  	[tilespmem:$0x5370] =	vst v35  }
0x90: {  	v34 =	vld.idx.msk [tilespmem:v34+s2+$0x0], $0xffff  }
0x91: {  	[tilespmem:$0x53F0] =	vst v33  }
0x92: {  	[tilespmem:$0x5430] =	vst v32  }
0x93: {  	[tilespmem:$0x5470] =	vst v37  }
0x94: {  	[tilespmem:$0x54B0] =	vst v38  }
0x95: {  	[tilespmem:$0x53B0] =	vst v34  }
0x96: {  	[tilespmem:s2], [sflag:$0x1] =	stream.linear.gather [hbm4b:s5+s2], $0x5000, $0x38;
	[tilespmem:$0x5700] =	vst v63  }
0x97: {  	_ =	swait.ge [sflag:s9], $0x5000  }
0x98: {  	[sflag:s9] =	ssyncset.done $0x0  }
0x99: {  	[sflag:s9] =	ssyncadd.s32 $0xFFFFB000  }
0x9a: {  	v62 =	vld.idx.msk [tilespmem:v17+s8+$0x0], $0xffff  }
0x9b: {  	v63 =	vld.idx.msk [tilespmem:v16+s8+$0x0], $0xffff;
	_ =	sdelay $0x3  }
0x9c: {  	v38 =	vmul.f32 $6.400000000e+01, v62  }
0x9d: {  	v39 =	vmul.f32 $6.400000000e+01, v63  }
0x9e: {  	v34 =	vtrunc.f32 v38  }
0x9f: {  	v35 =	vtrunc.f32 v39;
	v34 =	vcvt.f32.s32 v34  }
0xa0: {  	v35 =	vcvt.f32.s32 v35  }
0xa1: {  	vm8 =	vgt.s32 v34, $0x0  }
0xa2: {  	vm9 =	vgt.s32 v35, $0x0;
	v34 =	vnsel vm8, $0x0, v34  }
0xa3: {  	v35 =	vnsel vm9, $0x0, v35;
	v34 =	vmin.u32 v34, $0x3F  }
0xa4: {  	v35 =	vmin.u32 v35, $0x3F;
	v34 =	vshll.u32 v34, $0x6  }
0xa5: {  	v34 =	vor.u32 v35, v34  }
0xa6: {  	v34 =	vmul.u32 $0x5, v34;
	_ =	sdelay $0x5  }
0xa7: {  	v40 =	vld.idx.msk [tilespmem:v34+s2+$0x0], $0xffff  }
0xa8: {  	v41 =	vadd.s32 $0x1, v34;
	_ =	sdelay $0x2  }
0xa9: {  	v42 =	vld.idx.msk [tilespmem:v18+s8+$0x0], $0xffff  }
0xaa: {  	v43 =	vld.idx.msk [tilespmem:v19+s8+$0x0], $0xffff;
	[tilespmem:$0x54C0] =	vst v40  }
0xab: {  	v35 =	vld.idx.msk [tilespmem:v41+s2+$0x0], $0xffff  }
0xac: {  	v44 =	vadd.s32 $0x2, v34;
	_ =	sdelay $0x3  }
0xad: {  	[tilespmem:$0x5500] =	vst v35  }
0xae: {  	v35 =	vld.idx.msk [tilespmem:v44+s2+$0x0], $0xffff  }
0xaf: {  	v45 =	vadd.s32 $0x3, v34;
	_ =	sdelay $0x3  }
0xb0: {  	[tilespmem:$0x5540] =	vst v35  }
0xb1: {  	v35 =	vld.idx.msk [tilespmem:v45+s2+$0x0], $0xffff  }
0xb2: {  	v34 =	vadd.s32 $0x4, v34;
	_ =	sdelay $0x3  }
0xb3: {  	[tilespmem:$0x5580] =	vst v35  }
0xb4: {  	v34 =	vld.idx.msk [tilespmem:v34+s2+$0x0], $0xffff  }
0xb5: {  	[tilespmem:$0x5600] =	vst v63  }
0xb6: {  	[tilespmem:$0x5640] =	vst v62  }
0xb7: {  	[tilespmem:$0x5680] =	vst v42  }
0xb8: {  	[tilespmem:$0x56C0] =	vst v43  }
0xb9: {  	[tilespmem:$0x55C0] =	vst v34  }
0xba: {  	v32 =	vld.idx.msk [tilespmem:v21+s8+$0x0], $0xffff  }
0xbb: {  	v33 =	vld.idx.msk [tilespmem:v20+s8+$0x0], $0xffff;
	_ =	sdelay $0x3  }
0xbc: {  	v46 =	vmul.f32 $6.400000000e+01, v32  }
0xbd: {  	v47 =	vmul.f32 $6.400000000e+01, v33  }
0xbe: {  	v34 =	vtrunc.f32 v46  }
0xbf: {  	v35 =	vtrunc.f32 v47;
	v34 =	vcvt.f32.s32 v34  }
0xc0: {  	v35 =	vcvt.f32.s32 v35  }
0xc1: {  	vm10 =	vgt.s32 v34, $0x0  }
0xc2: {  	vm11 =	vgt.s32 v35, $0x0;
	v34 =	vnsel vm10, $0x0, v34  }
0xc3: {  	v35 =	vnsel vm11, $0x0, v35;
	v34 =	vmin.u32 v34, $0x3F  }
0xc4: {  	v35 =	vmin.u32 v35, $0x3F;
	v34 =	vshll.u32 v34, $0x6  }
0xc5: {  	v34 =	vor.u32 v35, v34  }
0xc6: {  	v34 =	vmul.u32 $0x5, v34;
	_ =	sdelay $0x5  }
0xc7: {  	v48 =	vld.idx.msk [tilespmem:v34+s2+$0x0], $0xffff  }
0xc8: {  	v49 =	vadd.s32 $0x1, v34;
	_ =	sdelay $0x2  }
0xc9: {  	v37 =	vld.idx.msk [tilespmem:v22+s8+$0x0], $0xffff  }
0xca: {  	v38 =	vld.idx.msk [tilespmem:v23+s8+$0x0], $0xffff;
	[tilespmem:$0x54D0] =	vst v48  }
0xcb: {  	v35 =	vld.idx.msk [tilespmem:v49+s2+$0x0], $0xffff  }
0xcc: {  	v50 =	vadd.s32 $0x2, v34;
	_ =	sdelay $0x3  }
0xcd: {  	[tilespmem:$0x5510] =	vst v35  }
0xce: {  	v35 =	vld.idx.msk [tilespmem:v50+s2+$0x0], $0xffff  }
0xcf: {  	v51 =	vadd.s32 $0x3, v34;
	_ =	sdelay $0x3  }
0xd0: {  	[tilespmem:$0x5550] =	vst v35  }
0xd1: {  	v35 =	vld.idx.msk [tilespmem:v51+s2+$0x0], $0xffff  }
0xd2: {  	v34 =	vadd.s32 $0x4, v34;
	_ =	sdelay $0x3  }
0xd3: {  	[tilespmem:$0x5590] =	vst v35  }
0xd4: {  	v34 =	vld.idx.msk [tilespmem:v34+s2+$0x0], $0xffff  }
0xd5: {  	[tilespmem:$0x5610] =	vst v33  }
0xd6: {  	[tilespmem:$0x5650] =	vst v32  }
0xd7: {  	[tilespmem:$0x5690] =	vst v37  }
0xd8: {  	[tilespmem:$0x56D0] =	vst v38  }
0xd9: {  	[tilespmem:$0x55D0] =	vst v34  }
0xda: {  	v32 =	vld.idx.msk [tilespmem:v25+s8+$0x0], $0xffff  }
0xdb: {  	v33 =	vld.idx.msk [tilespmem:v24+s8+$0x0], $0xffff;
	_ =	sdelay $0x3  }
0xdc: {  	v52 =	vmul.f32 $6.400000000e+01, v32  }
0xdd: {  	v53 =	vmul.f32 $6.400000000e+01, v33  }
0xde: {  	v34 =	vtrunc.f32 v52  }
0xdf: {  	v35 =	vtrunc.f32 v53;
	v34 =	vcvt.f32.s32 v34  }
0xe0: {  	v35 =	vcvt.f32.s32 v35  }
0xe1: {  	vm12 =	vgt.s32 v34, $0x0  }
0xe2: {  	vm13 =	vgt.s32 v35, $0x0;
	v34 =	vnsel vm12, $0x0, v34  }
0xe3: {  	v35 =	vnsel vm13, $0x0, v35;
	v34 =	vmin.u32 v34, $0x3F  }
0xe4: {  	v35 =	vmin.u32 v35, $0x3F;
	v34 =	vshll.u32 v34, $0x6  }
0xe5: {  	v34 =	vor.u32 v35, v34  }
0xe6: {  	v34 =	vmul.u32 $0x5, v34;
	_ =	sdelay $0x5  }
0xe7: {  	v54 =	vld.idx.msk [tilespmem:v34+s2+$0x0], $0xffff  }
0xe8: {  	v55 =	vadd.s32 $0x1, v34;
	_ =	sdelay $0x2  }
0xe9: {  	v37 =	vld.idx.msk [tilespmem:v26+s8+$0x0], $0xffff  }
0xea: {  	v38 =	vld.idx.msk [tilespmem:v27+s8+$0x0], $0xffff;
	[tilespmem:$0x54E0] =	vst v54  }
0xeb: {  	v35 =	vld.idx.msk [tilespmem:v55+s2+$0x0], $0xffff  }
0xec: {  	v56 =	vadd.s32 $0x2, v34;
	_ =	sdelay $0x3  }
0xed: {  	[tilespmem:$0x5520] =	vst v35  }
0xee: {  	v35 =	vld.idx.msk [tilespmem:v56+s2+$0x0], $0xffff  }
0xef: {  	v57 =	vadd.s32 $0x3, v34;
	_ =	sdelay $0x3  }
0xf0: {  	[tilespmem:$0x5560] =	vst v35  }
0xf1: {  	v35 =	vld.idx.msk [tilespmem:v57+s2+$0x0], $0xffff  }
0xf2: {  	v34 =	vadd.s32 $0x4, v34;
	_ =	sdelay $0x3  }
0xf3: {  	[tilespmem:$0x55A0] =	vst v35  }
0xf4: {  	v34 =	vld.idx.msk [tilespmem:v34+s2+$0x0], $0xffff  }
0xf5: {  	[tilespmem:$0x5620] =	vst v33  }
0xf6: {  	[tilespmem:$0x5660] =	vst v32  }
0xf7: {  	[tilespmem:$0x56A0] =	vst v37  }
0xf8: {  	[tilespmem:$0x56E0] =	vst v38  }
0xf9: {  	[tilespmem:$0x55E0] =	vst v34  }
0xfa: {  	v32 =	vld.idx.msk [tilespmem:v29+s8+$0x0], $0xffff  }
0xfb: {  	v33 =	vld.idx.msk [tilespmem:v28+s8+$0x0], $0xffff;
	_ =	sdelay $0x3  }
0xfc: {  	v58 =	vmul.f32 $6.400000000e+01, v32  }
0xfd: {  	v59 =	vmul.f32 $6.400000000e+01, v33  }
0xfe: {  	v34 =	vtrunc.f32 v58  }
0xff: {  	v35 =	vtrunc.f32 v59;
	v34 =	vcvt.f32.s32 v34  }
0x100: {  	v35 =	vcvt.f32.s32 v35  }
0x101: {  	vm14 =	vgt.s32 v34, $0x0  }
0x102: {  	vm15 =	vgt.s32 v35, $0x0;
	v34 =	vnsel vm14, $0x0, v34  }
0x103: {  	v35 =	vnsel vm15, $0x0, v35;
	v34 =	vmin.u32 v34, $0x3F  }
0x104: {  	v35 =	vmin.u32 v35, $0x3F;
	v34 =	vshll.u32 v34, $0x6  }
0x105: {  	v34 =	vor.u32 v35, v34  }
0x106: {  	v34 =	vmul.u32 $0x5, v34;
	_ =	sdelay $0x5  }
0x107: {  	v60 =	vld.idx.msk [tilespmem:v34+s2+$0x0], $0xffff  }
0x108: {  	v61 =	vadd.s32 $0x1, v34;
	_ =	sdelay $0x2  }
0x109: {  	v37 =	vld.idx.msk [tilespmem:v30+s8+$0x0], $0xffff  }
0x10a: {  	v38 =	vld.idx.msk [tilespmem:v31+s8+$0x0], $0xffff;
	[tilespmem:$0x54F0] =	vst v60  }
0x10b: {  	v35 =	vld.idx.msk [tilespmem:v61+s2+$0x0], $0xffff  }
0x10c: {  	v62 =	vadd.s32 $0x2, v34;
	_ =	sdelay $0x3  }
0x10d: {  	[tilespmem:$0x5530] =	vst v35  }
0x10e: {  	v35 =	vld.idx.msk [tilespmem:v62+s2+$0x0], $0xffff  }
0x10f: {  	v63 =	vadd.s32 $0x3, v34;
	_ =	sdelay $0x3  }
0x110: {  	[tilespmem:$0x5570] =	vst v35  }
0x111: {  	v35 =	vld.idx.msk [tilespmem:v63+s2+$0x0], $0xffff  }
0x112: {  	v34 =	vadd.s32 $0x4, v34;
	_ =	sdelay $0x3  }
0x113: {  	[tilespmem:$0x55B0] =	vst v35  }
0x114: {  	v34 =	vld.idx.msk [tilespmem:v34+s2+$0x0], $0xffff  }
0x115: {  	[tilespmem:$0x5630] =	vst v33  }
0x116: {  	[tilespmem:$0x5670] =	vst v32  }
0x117: {  	[tilespmem:$0x56B0] =	vst v37  }
0x118: {  	p0 =	sne.s32 s7, $0x1;
	[tilespmem:$0x56F0] =	vst v38  }
.Ltmp0:
0x119: {  	[tilespmem:$0x55F0] =	vst v34;
	(pc) =	sbr.rel @p0 .LBB2_1-.Ltmp0, $4  }
0x11a: {  	[hbm4b:s6+s2] =	stream.linear.scatter [tilespmem:s10], [sflag:$0x1], $0x480, $0x38;
	[tilespmem:$0x5700] =	vst v63  }
0x11b: {  	_ =	swait.ge [sflag:s9], $0x480  }
0x11c: {  	[sflag:s9] =	ssyncset.done $0x0  }
0x11d: {  	s7 =	sadd.s32 $0xFFFFFFFF, s7;
	[sflag:s9] =	ssyncadd.s32 $0xFFFFFB80  }
0x11e: {  	_ =	sfence.sel $0x180000  }
0x11f: {  	[bflag:$0x0] =	sbarrier.arrive $0xFFFF  }
0x120: {  	p0 =	sne.s32 s0, $0x0;
	_ =	strace $0x90000047  }
0x121: {  	s0 =	sadd.s32 @!p0 $0x100000, s1;
	[bflag:$0x2] =	sbarrier.arrive $0xFFFF  }
0x122: {  	[sflag:s0] =	ssyncadd.tile.s32 @!p0 $0x1;
	_ =	shalt  }
.Lfunc_end2:
_tile_overlayer_lowered:
.L_overlay_start_2:
0x123: {  	(tag) =	ssettag $0x2  }
0x124: {  	s0 =	rddreg [dreg:$0x0];
	s2 =	stileid.u32  }
0x125: {  	s1 =	rddreg [dreg:$0x1];
	p0 =	sne.s32 s2, $0x0  }
0x126: {  	s3 =	rddreg [dreg:$0x2];
	[bflag:$0x3] =	sbarrier.arrive $0xFFFF;
	s2 =	simm.s32 @!p0 $0x1C01  }
0x127: {  	[timem:s3], [sflag:s2] =	dma.local @!p0 [hbm:s0], s1  }
0x128: {  	s0 =	simm.s32 @!p0 $0x1  }
0x129: {  	_ =	swait.ge @!p0 [sflag:s0], s1  }
0x12a: {  	s1 =	ssub.s32 @!p0 $0x0, s1;
	[sflag:s0] =	ssyncset.done @!p0 $0x0  }
0x12b: {  	[sflag:s0] =	ssyncadd.s32 @!p0 s1  }
0x12c: {  	[bflag:$0x3] =	sbarrier.arrive $0xFFFF  }
0x12d: {  	_ =	shalt  }

</sc_bundles>
